<compile_context>
chip_gen: v7x
topology: tpu7x:2x2x1
jax: 0.10.2.dev20260603
libtpu: 0.0.44.dev20260713+nightly
codegen_flags: <defaults>
</compile_context>

<pallas_src>
import functools

import jax
import jax.numpy as jnp
from jax import lax
from jax.experimental import pallas as pl
from jax.experimental.pallas import tpu as pltpu
from jax.experimental.pallas import tpu_sc as plsc

_ROWS, _COLS, _K = 16384, 512, 128
_SC_ROWS = 6144
_TC_ROWS = _ROWS - _SC_ROWS
_TC_BLK = 1024
_NC, _NS = 2, 16
_NW = _NC * _NS
_RPW = _SC_ROWS // _NW
_CHUNK = 32
_UNROLL = 4
_NCHUNK = _RPW // _CHUNK
_NPAIR = _NCHUNK // 2
_L = 16


def _sc_gather_call(x, indices):
    mesh = plsc.VectorSubcoreMesh(core_axis_name="c", subcore_axis_name="s")

    @functools.partial(
        pl.kernel,
        mesh=mesh,
        out_type=jax.ShapeDtypeStruct((_SC_ROWS, _K), jnp.float32),
        scratch_types=[
            pltpu.VMEM((_K,), jnp.int32),
            pltpu.VMEM((2, _CHUNK, _COLS), jnp.float32),
            pltpu.VMEM((2, _CHUNK, _K), jnp.float32),
            pltpu.SemaphoreType.DMA,
            pltpu.SemaphoreType.DMA,
            pltpu.SemaphoreType.DMA,
            pltpu.SemaphoreType.DMA,
        ],
        compiler_params=pltpu.CompilerParams(needs_layout_passes=False),
    )
    def sc_gather(x_hbm, idx_hbm, out_hbm, idx_v, in_v, out_v,
                  si0, si1, so0, so1):
        wid = lax.axis_index("s") * _NC + lax.axis_index("c")
        base = wid * _RPW
        pltpu.sync_copy(idx_hbm, idx_v)
        idx_regs = [idx_v[pl.ds(k * _L, _L)] for k in range(_K // _L)]
        sin = [si0, si1]
        sout = [so0, so1]
        b_vecs = [jnp.full((_L,), b, jnp.int32) for b in range(2)]

        for b in range(2):
            pltpu.async_copy(
                x_hbm.at[pl.ds(base + b * _CHUNK, _CHUNK)], in_v.at[b], sin[b]
            )

        def pair_body(g, carry):
            for b in range(2):
                c = g * 2 + b
                r0 = base + c * _CHUNK
                pltpu.make_async_copy(
                    x_hbm.at[pl.ds(r0, _CHUNK)], in_v.at[b], sin[b]
                ).wait()

                @pl.when(g > 0)
                def _wait_prev_out():
                    pltpu.make_async_copy(
                        out_v.at[b], out_hbm.at[pl.ds(r0, _CHUNK)], sout[b]
                    ).wait()

                def row_body(rr, carry2):
                    for u in range(_UNROLL):
                        r = rr * _UNROLL + u
                        r_vec = jnp.full((_L,), r, jnp.int32)
                        for k in range(_K // _L):
                            out_v[b, r, pl.ds(k * _L, _L)] = plsc.load_gather(
                                in_v, [b_vecs[b], r_vec, idx_regs[k]]
                            )
                    return carry2

                lax.fori_loop(0, _CHUNK // _UNROLL, row_body, 0)
                pltpu.async_copy(
                    out_v.at[b], out_hbm.at[pl.ds(r0, _CHUNK)], sout[b]
                )

                @pl.when(g < _NPAIR - 1)
                def _start_next_in():
                    pltpu.async_copy(
                        x_hbm.at[pl.ds(r0 + 2 * _CHUNK, _CHUNK)],
                        in_v.at[b],
                        sin[b],
                    )

            return carry

        lax.fori_loop(0, _NPAIR, pair_body, 0)
        for b in range(2):
            r_last = base + (_NCHUNK - 2 + b) * _CHUNK
            pltpu.make_async_copy(
                out_v.at[b], out_hbm.at[pl.ds(r_last, _CHUNK)], sout[b]
            ).wait()

    return sc_gather(x, indices)


def _tc_body(idx_ref, x_ref, out_ref):
    col = lax.broadcasted_iota(jnp.int32, (_COLS, _K), 0)
    onehot = (col == idx_ref[0][None, :]).astype(jnp.float32)
    out_ref[...] = jnp.dot(
        x_ref[...], onehot, preferred_element_type=jnp.float32
    )


def _tc_gather_call(x, indices):
    grid = (_TC_ROWS // _TC_BLK,)
    return pl.pallas_call(
        _tc_body,
        grid=grid,
        in_specs=[
            pl.BlockSpec((1, _K), lambda i: (0, 0)),
            pl.BlockSpec((_TC_BLK, _COLS), lambda i: (i + _SC_ROWS // _TC_BLK, 0)),
        ],
        out_specs=pl.BlockSpec((_TC_BLK, _K), lambda i: (i, 0)),
        out_shape=jax.ShapeDtypeStruct((_TC_ROWS, _K), jnp.float32),
        compiler_params=pltpu.CompilerParams(
            dimension_semantics=("arbitrary",),
        ),
    )(indices.reshape(1, _K), x)


def kernel(x, indices):
    idx = indices.astype(jnp.int32)
    out_sc = _sc_gather_call(x, idx)
    out_tc = _tc_gather_call(x, idx)
    return jnp.concatenate([out_sc, out_tc], axis=0)

# --- scband reference (transcript-rebuilt; emitter-appended) ---
"""Pipeline reference for scband-rewire-module-27522150433219 (READ-ONLY COPY).

The authoritative reference and input builder live on the scoring server;
editing this copy changes nothing except your own understanding.
"""

import jax, jax.numpy as jnp
import numpy as np


def setup_inputs(seed: int = 0) -> dict:
    key = jax.random.key(seed)
    x = jax.random.normal(key, (16384, 512), dtype=jnp.float32)
    # indices parameter from init_kwargs: 511, 507, ..., 3 (length 128, all < 512)
    indices = jnp.arange(511, 2, -4, dtype=jnp.int32)
    return {"x": x, "indices": indices}


def reference(x, indices):
    # RewireModule.forward: x = x[:, self.indices]
    # (TrackerModule is a side-effect-free activation tracker; its output is discarded.)
    out = jnp.take(x, indices, axis=1)
    return out

if __name__ == "__main__":
    import jax
    _d = setup_inputs()
    print(jax.jit(kernel)(*tuple(_d.values())))

</pallas_src>

<mosaic_0001>
#map = affine_map<(d0, d1) -> (0, 0)>
#map1 = affine_map<(d0, d1) -> (0)>
module attributes {stable_mosaic.version = 14 : i64} {
  func.func @sc_gather(%arg0: i32, %arg1: i32, %arg2: memref<16384x512xf32, #tpu.memory_space<hbm>>, %arg3: memref<128xi32, #tpu.memory_space<hbm>>, %arg4: memref<6144x128xf32, #tpu.memory_space<hbm>>, %arg5: memref<128xi32, #tpu.memory_space<vmem>>, %arg6: memref<2x32x512xf32, #tpu.memory_space<vmem>>, %arg7: memref<2x32x128xf32, #tpu.memory_space<vmem>>, %arg8: memref<!tpu.dma_semaphore, #tpu.memory_space<semaphore_mem>>, %arg9: memref<!tpu.dma_semaphore, #tpu.memory_space<semaphore_mem>>, %arg10: memref<!tpu.dma_semaphore, #tpu.memory_space<semaphore_mem>>, %arg11: memref<!tpu.dma_semaphore, #tpu.memory_space<semaphore_mem>>) attributes {dimension_semantics = [#tpu.dimension_semantics<core_parallel>, #tpu.dimension_semantics<subcore_parallel>], iteration_bounds = array<i64: 2, 16>, scalar_prefetch = 0 : i64, scratch_operands = 7 : i64, tpu.core_type = #tpu.core_type<sc_vector_subcore>, window_params = [{transform_indices = #map}, {transform_indices = #map1}, {transform_indices = #map}]} {
    %mul3A = arith.constant 2 : i32
    %mul3A_0 = arith.muli %arg1, %mul3A : i32
    %add3A = arith.addi %mul3A_0, %arg0 : i32
    %mul3A_1 = arith.constant 192 : i32
    %mul3A_2 = arith.muli %add3A, %mul3A_1 : i32
    "tpu.region"() ({
      %run_scoped3A = tpu.sem_alloc : memref<!tpu.dma_semaphore, #tpu.memory_space<semaphore_mem>>
      tpu.enqueue_dma source(%arg3 : memref<128xi32, #tpu.memory_space<hbm>>) target(%arg5 : memref<128xi32, #tpu.memory_space<vmem>>) target_semaphore(%run_scoped3A : memref<!tpu.dma_semaphore, #tpu.memory_space<semaphore_mem>>)
      tpu.wait_dma2 semaphore(%run_scoped3A : memref<!tpu.dma_semaphore, #tpu.memory_space<semaphore_mem>>) src(%arg3 : memref<128xi32, #tpu.memory_space<hbm>>) dst(%arg5 : memref<128xi32, #tpu.memory_space<vmem>>)
      tpu.yield
    }) : () -> ()
    %get3A = arith.constant 0 : index
    %get3A_3 = tpu.vector_load %arg5[%get3A] {strides = array<i32>} : memref<128xi32, #tpu.memory_space<vmem>>, vector<16xi32>,
    %get3A_4 = arith.constant 16 : index
    %get3A_5 = tpu.vector_load %arg5[%get3A_4] {strides = array<i32>} : memref<128xi32, #tpu.memory_space<vmem>>, vector<16xi32>,
    %get3A_6 = arith.constant 32 : index
    %get3A_7 = tpu.vector_load %arg5[%get3A_6] {strides = array<i32>} : memref<128xi32, #tpu.memory_space<vmem>>, vector<16xi32>,
    %get3A_8 = arith.constant 48 : index
    %get3A_9 = tpu.vector_load %arg5[%get3A_8] {strides = array<i32>} : memref<128xi32, #tpu.memory_space<vmem>>, vector<16xi32>,
    %get3A_10 = arith.constant 64 : index
    %get3A_11 = tpu.vector_load %arg5[%get3A_10] {strides = array<i32>} : memref<128xi32, #tpu.memory_space<vmem>>, vector<16xi32>,
    %get3A_12 = arith.constant 80 : index
    %get3A_13 = tpu.vector_load %arg5[%get3A_12] {strides = array<i32>} : memref<128xi32, #tpu.memory_space<vmem>>, vector<16xi32>,
    %get3A_14 = arith.constant 96 : index
    %get3A_15 = tpu.vector_load %arg5[%get3A_14] {strides = array<i32>} : memref<128xi32, #tpu.memory_space<vmem>>, vector<16xi32>,
    %get3A_16 = arith.constant 112 : index
    %get3A_17 = tpu.vector_load %arg5[%get3A_16] {strides = array<i32>} : memref<128xi32, #tpu.memory_space<vmem>>, vector<16xi32>,
    %broadcast_in_dim3A = arith.constant 0 : i32
    %broadcast_in_dim3A_18 = vector.broadcast %broadcast_in_dim3A : i32 to vector<16xi32>
    %broadcast_in_dim3A_19 = arith.constant 1 : i32
    %broadcast_in_dim3A_20 = vector.broadcast %broadcast_in_dim3A_19 : i32 to vector<16xi32>
    %add3A_21 = arith.constant 0 : i32
    %add3A_22 = arith.addi %mul3A_2, %add3A_21 : i32
    %dma_start3A = arith.constant 0 : i32
    %dma_start3A_23 = arith.constant 0 : i32
    %dma_start3A_24 = arith.constant 0 : i32
    %dma_start3A_25 = tpu.memref_slice %arg6[%dma_start3A, %dma_start3A_23, %dma_start3A_24] : memref<2x32x512xf32, #tpu.memory_space<vmem>> -> memref<1x32x512xf32, #tpu.memory_space<vmem>>
    %dma_start3A_26 = tpu.memref_squeeze %dma_start3A_25 : memref<1x32x512xf32, #tpu.memory_space<vmem>> -> memref<32x512xf32, #tpu.memory_space<vmem>>
    %dma_start3A_27 = arith.constant 0 : i32
    %dma_start3A_28 = tpu.memref_slice %arg2[%add3A_22, %dma_start3A_27] : memref<16384x512xf32, #tpu.memory_space<hbm>> -> memref<32x512xf32, #tpu.memory_space<hbm>>
    %dma_start3A_29 = arith.constant 0 : i32
    %dma_start3A_30 = arith.constant 0 : i32
    %dma_start3A_31 = tpu.memref_slice %arg6[%dma_start3A, %dma_start3A_29, %dma_start3A_30] : memref<2x32x512xf32, #tpu.memory_space<vmem>> -> memref<1x32x512xf32, #tpu.memory_space<vmem>>
    %dma_start3A_32 = tpu.memref_squeeze %dma_start3A_31 : memref<1x32x512xf32, #tpu.memory_space<vmem>> -> memref<32x512xf32, #tpu.memory_space<vmem>>
    %dma_start3A_33 = arith.constant 0 : i32
    %dma_start3A_34 = tpu.memref_slice %arg2[%add3A_22, %dma_start3A_33] : memref<16384x512xf32, #tpu.memory_space<hbm>> -> memref<32x512xf32, #tpu.memory_space<hbm>>
    tpu.enqueue_dma source(%dma_start3A_34 : memref<32x512xf32, #tpu.memory_space<hbm>>) target(%dma_start3A_32 : memref<32x512xf32, #tpu.memory_space<vmem>>) target_semaphore(%arg8 : memref<!tpu.dma_semaphore, #tpu.memory_space<semaphore_mem>>)
    %add3A_35 = arith.constant 32 : i32
    %add3A_36 = arith.addi %mul3A_2, %add3A_35 : i32
    %dma_start3A_37 = arith.constant 1 : i32
    %dma_start3A_38 = arith.constant 0 : i32
    %dma_start3A_39 = arith.constant 0 : i32
    %dma_start3A_40 = tpu.memref_slice %arg6[%dma_start3A_37, %dma_start3A_38, %dma_start3A_39] : memref<2x32x512xf32, #tpu.memory_space<vmem>> -> memref<1x32x512xf32, #tpu.memory_space<vmem>>
    %dma_start3A_41 = tpu.memref_squeeze %dma_start3A_40 : memref<1x32x512xf32, #tpu.memory_space<vmem>> -> memref<32x512xf32, #tpu.memory_space<vmem>>
    %dma_start3A_42 = arith.constant 0 : i32
    %dma_start3A_43 = tpu.memref_slice %arg2[%add3A_36, %dma_start3A_42] : memref<16384x512xf32, #tpu.memory_space<hbm>> -> memref<32x512xf32, #tpu.memory_space<hbm>>
    %dma_start3A_44 = arith.constant 0 : i32
    %dma_start3A_45 = arith.constant 0 : i32
    %dma_start3A_46 = tpu.memref_slice %arg6[%dma_start3A_37, %dma_start3A_44, %dma_start3A_45] : memref<2x32x512xf32, #tpu.memory_space<vmem>> -> memref<1x32x512xf32, #tpu.memory_space<vmem>>
    %dma_start3A_47 = tpu.memref_squeeze %dma_start3A_46 : memref<1x32x512xf32, #tpu.memory_space<vmem>> -> memref<32x512xf32, #tpu.memory_space<vmem>>
    %dma_start3A_48 = arith.constant 0 : i32
    %dma_start3A_49 = tpu.memref_slice %arg2[%add3A_36, %dma_start3A_48] : memref<16384x512xf32, #tpu.memory_space<hbm>> -> memref<32x512xf32, #tpu.memory_space<hbm>>
    tpu.enqueue_dma source(%dma_start3A_49 : memref<32x512xf32, #tpu.memory_space<hbm>>) target(%dma_start3A_47 : memref<32x512xf32, #tpu.memory_space<vmem>>) target_semaphore(%arg9 : memref<!tpu.dma_semaphore, #tpu.memory_space<semaphore_mem>>)
    %scan3A = arith.constant 0 : i32
    %scan3A_50 = arith.constant 0 : i32
    %scan3A_51 = arith.constant 3 : i32
    %scan3A_52 = arith.addi %scan3A_50, %scan3A_51 : i32
    %scan3A_53 = arith.constant 1 : i32
    scf.for %scan3A_84 = %scan3A_50 to %scan3A_52 step %scan3A_53  : i32 {
      %mul3A_85 = arith.constant 2 : i32
      %mul3A_86 = arith.muli %scan3A_84, %mul3A_85 : i32
      %add3A_87 = arith.constant 0 : i32
      %add3A_88 = arith.addi %mul3A_86, %add3A_87 : i32
      %mul3A_89 = arith.constant 32 : i32
      %mul3A_90 = arith.muli %add3A_88, %mul3A_89 : i32
      %add3A_91 = arith.addi %mul3A_2, %mul3A_90 : i32
      %dma_wait3A_92 = arith.constant 0 : i32
      %dma_wait3A_93 = arith.constant 0 : i32
      %dma_wait3A_94 = arith.constant 0 : i32
      %dma_wait3A_95 = tpu.memref_slice %arg6[%dma_wait3A_92, %dma_wait3A_93, %dma_wait3A_94] : memref<2x32x512xf32, #tpu.memory_space<vmem>> -> memref<1x32x512xf32, #tpu.memory_space<vmem>>
      %dma_wait3A_96 = tpu.memref_squeeze %dma_wait3A_95 : memref<1x32x512xf32, #tpu.memory_space<vmem>> -> memref<32x512xf32, #tpu.memory_space<vmem>>
      %dma_wait3A_97 = arith.constant 0 : i32
      %dma_wait3A_98 = tpu.memref_slice %arg2[%add3A_91, %dma_wait3A_97] : memref<16384x512xf32, #tpu.memory_space<hbm>> -> memref<32x512xf32, #tpu.memory_space<hbm>>
      %dma_wait3A_99 = arith.constant 0 : i32
      %dma_wait3A_100 = arith.constant 0 : i32
      %dma_wait3A_101 = tpu.memref_slice %arg6[%dma_wait3A_92, %dma_wait3A_99, %dma_wait3A_100] : memref<2x32x512xf32, #tpu.memory_space<vmem>> -> memref<1x32x512xf32, #tpu.memory_space<vmem>>
      %dma_wait3A_102 = tpu.memref_squeeze %dma_wait3A_101 : memref<1x32x512xf32, #tpu.memory_space<vmem>> -> memref<32x512xf32, #tpu.memory_space<vmem>>
      %dma_wait3A_103 = arith.constant 0 : i32
      %dma_wait3A_104 = tpu.memref_slice %arg2[%add3A_91, %dma_wait3A_103] : memref<16384x512xf32, #tpu.memory_space<hbm>> -> memref<32x512xf32, #tpu.memory_space<hbm>>
      tpu.wait_dma2 semaphore(%arg8 : memref<!tpu.dma_semaphore, #tpu.memory_space<semaphore_mem>>) src(%dma_wait3A_104 : memref<32x512xf32, #tpu.memory_space<hbm>>) dst(%dma_wait3A_102 : memref<32x512xf32, #tpu.memory_space<vmem>>)
      %gt3A = arith.constant 0 : i32
      %gt3A_105 = arith.cmpi sgt, %scan3A_84, %gt3A : i32
      %convert_element_type3A = arith.extui %gt3A_105 : i1 to i32
      %cond3A = arith.constant 0 : i32
      %cond3A_106 = arith.cmpi ne, %convert_element_type3A, %cond3A : i32
      scf.if %cond3A_106 {
        %dma_wait3A_179 = arith.constant 0 : i32
        %dma_wait3A_180 = arith.constant 0 : i32
        %dma_wait3A_181 = arith.constant 0 : i32
        %dma_wait3A_182 = tpu.memref_slice %arg7[%dma_wait3A_179, %dma_wait3A_180, %dma_wait3A_181] : memref<2x32x128xf32, #tpu.memory_space<vmem>> -> memref<1x32x128xf32, #tpu.memory_space<vmem>>
        %dma_wait3A_183 = tpu.memref_squeeze %dma_wait3A_182 : memref<1x32x128xf32, #tpu.memory_space<vmem>> -> memref<32x128xf32, #tpu.memory_space<vmem>>
        %dma_wait3A_184 = arith.constant 0 : i32
        %dma_wait3A_185 = tpu.memref_slice %arg4[%add3A_91, %dma_wait3A_184] : memref<6144x128xf32, #tpu.memory_space<hbm>> -> memref<32x128xf32, #tpu.memory_space<hbm>>
        %dma_wait3A_186 = arith.constant 0 : i32
        %dma_wait3A_187 = tpu.memref_slice %arg4[%add3A_91, %dma_wait3A_186] : memref<6144x128xf32, #tpu.memory_space<hbm>> -> memref<32x128xf32, #tpu.memory_space<hbm>>
        %dma_wait3A_188 = arith.constant 0 : i32
        %dma_wait3A_189 = arith.constant 0 : i32
        %dma_wait3A_190 = tpu.memref_slice %arg7[%dma_wait3A_179, %dma_wait3A_188, %dma_wait3A_189] : memref<2x32x128xf32, #tpu.memory_space<vmem>> -> memref<1x32x128xf32, #tpu.memory_space<vmem>>
        %dma_wait3A_191 = tpu.memref_squeeze %dma_wait3A_190 : memref<1x32x128xf32, #tpu.memory_space<vmem>> -> memref<32x128xf32, #tpu.memory_space<vmem>>
        tpu.wait_dma2 semaphore(%arg10 : memref<!tpu.dma_semaphore, #tpu.memory_space<semaphore_mem>>) src(%dma_wait3A_191 : memref<32x128xf32, #tpu.memory_space<vmem>>) dst(%dma_wait3A_187 : memref<32x128xf32, #tpu.memory_space<hbm>>)
      } else {
      }
      %scan3A_107 = arith.constant 0 : i32
      %scan3A_108 = arith.constant 0 : i32
      %scan3A_109 = arith.constant 8 : i32
      %scan3A_110 = arith.addi %scan3A_108, %scan3A_109 : i32
      %scan3A_111 = arith.constant 1 : i32
      scf.for %scan3A_179 = %scan3A_108 to %scan3A_110 step %scan3A_111  : i32 {
        %mul3A_180 = arith.constant 4 : i32
        %mul3A_181 = arith.muli %scan3A_179, %mul3A_180 : i32
        %add3A_182 = arith.constant 0 : i32
        %add3A_183 = arith.addi %mul3A_181, %add3A_182 : i32
        %broadcast_in_dim3A_184 = vector.broadcast %add3A_183 : i32 to vector<16xi32>
        %gather3A = tpu.vector_load_idx %arg6[%broadcast_in_dim3A_18, %broadcast_in_dim3A_184, %get3A_3] : memref<2x32x512xf32, #tpu.memory_space<vmem>>[vector<16xi32>, vector<16xi32>, vector<16xi32>], vector<16xf32>,
        %swap3A = arith.constant 0 : i32
        %swap3A_185 = arith.index_cast %swap3A : i32 to index
        %swap3A_186 = arith.index_cast %add3A_183 : i32 to index
        %swap3A_187 = arith.constant 0 : index
        %swap3A_188 = tpu.vector_load %arg7[%swap3A_185, %swap3A_186, %swap3A_187] {strides = array<i32>} : memref<2x32x128xf32, #tpu.memory_space<vmem>>, vector<16xf32>,
        tpu.vector_store %arg7[%swap3A_185, %swap3A_186, %swap3A_187], %gather3A {strides = array<i32>} : memref<2x32x128xf32, #tpu.memory_space<vmem>>, vector<16xf32>,
        %gather3A_189 = tpu.vector_load_idx %arg6[%broadcast_in_dim3A_18, %broadcast_in_dim3A_184, %get3A_5] : memref<2x32x512xf32, #tpu.memory_space<vmem>>[vector<16xi32>, vector<16xi32>, vector<16xi32>], vector<16xf32>,
        %swap3A_190 = arith.constant 0 : i32
        %swap3A_191 = arith.index_cast %swap3A_190 : i32 to index
        %swap3A_192 = arith.index_cast %add3A_183 : i32 to index
        %swap3A_193 = arith.constant 16 : index
        %swap3A_194 = tpu.vector_load %arg7[%swap3A_191, %swap3A_192, %swap3A_193] {strides = array<i32>} : memref<2x32x128xf32, #tpu.memory_space<vmem>>, vector<16xf32>,
        tpu.vector_store %arg7[%swap3A_191, %swap3A_192, %swap3A_193], %gather3A_189 {strides = array<i32>} : memref<2x32x128xf32, #tpu.memory_space<vmem>>, vector<16xf32>,
        %gather3A_195 = tpu.vector_load_idx %arg6[%broadcast_in_dim3A_18, %broadcast_in_dim3A_184, %get3A_7] : memref<2x32x512xf32, #tpu.memory_space<vmem>>[vector<16xi32>, vector<16xi32>, vector<16xi32>], vector<16xf32>,
        %swap3A_196 = arith.constant 0 : i32
        %swap3A_197 = arith.index_cast %swap3A_196 : i32 to index
        %swap3A_198 = arith.index_cast %add3A_183 : i32 to index
        %swap3A_199 = arith.constant 32 : index
        %swap3A_200 = tpu.vector_load %arg7[%swap3A_197, %swap3A_198, %swap3A_199] {strides = array<i32>} : memref<2x32x128xf32, #tpu.memory_space<vmem>>, vector<16xf32>,
        tpu.vector_store %arg7[%swap3A_197, %swap3A_198, %swap3A_199], %gather3A_195 {strides = array<i32>} : memref<2x32x128xf32, #tpu.memory_space<vmem>>, vector<16xf32>,
        %gather3A_201 = tpu.vector_load_idx %arg6[%broadcast_in_dim3A_18, %broadcast_in_dim3A_184, %get3A_9] : memref<2x32x512xf32, #tpu.memory_space<vmem>>[vector<16xi32>, vector<16xi32>, vector<16xi32>], vector<16xf32>,
        %swap3A_202 = arith.constant 0 : i32
        %swap3A_203 = arith.index_cast %swap3A_202 : i32 to index
        %swap3A_204 = arith.index_cast %add3A_183 : i32 to index
        %swap3A_205 = arith.constant 48 : index
        %swap3A_206 = tpu.vector_load %arg7[%swap3A_203, %swap3A_204, %swap3A_205] {strides = array<i32>} : memref<2x32x128xf32, #tpu.memory_space<vmem>>, vector<16xf32>,
        tpu.vector_store %arg7[%swap3A_203, %swap3A_204, %swap3A_205], %gather3A_201 {strides = array<i32>} : memref<2x32x128xf32, #tpu.memory_space<vmem>>, vector<16xf32>,
        %gather3A_207 = tpu.vector_load_idx %arg6[%broadcast_in_dim3A_18, %broadcast_in_dim3A_184, %get3A_11] : memref<2x32x512xf32, #tpu.memory_space<vmem>>[vector<16xi32>, vector<16xi32>, vector<16xi32>], vector<16xf32>,
        %swap3A_208 = arith.constant 0 : i32
        %swap3A_209 = arith.index_cast %swap3A_208 : i32 to index
        %swap3A_210 = arith.index_cast %add3A_183 : i32 to index
        %swap3A_211 = arith.constant 64 : index
        %swap3A_212 = tpu.vector_load %arg7[%swap3A_209, %swap3A_210, %swap3A_211] {strides = array<i32>} : memref<2x32x128xf32, #tpu.memory_space<vmem>>, vector<16xf32>,
        tpu.vector_store %arg7[%swap3A_209, %swap3A_210, %swap3A_211], %gather3A_207 {strides = array<i32>} : memref<2x32x128xf32, #tpu.memory_space<vmem>>, vector<16xf32>,
        %gather3A_213 = tpu.vector_load_idx %arg6[%broadcast_in_dim3A_18, %broadcast_in_dim3A_184, %get3A_13] : memref<2x32x512xf32, #tpu.memory_space<vmem>>[vector<16xi32>, vector<16xi32>, vector<16xi32>], vector<16xf32>,
        %swap3A_214 = arith.constant 0 : i32
        %swap3A_215 = arith.index_cast %swap3A_214 : i32 to index
        %swap3A_216 = arith.index_cast %add3A_183 : i32 to index
        %swap3A_217 = arith.constant 80 : index
        %swap3A_218 = tpu.vector_load %arg7[%swap3A_215, %swap3A_216, %swap3A_217] {strides = array<i32>} : memref<2x32x128xf32, #tpu.memory_space<vmem>>, vector<16xf32>,
        tpu.vector_store %arg7[%swap3A_215, %swap3A_216, %swap3A_217], %gather3A_213 {strides = array<i32>} : memref<2x32x128xf32, #tpu.memory_space<vmem>>, vector<16xf32>,
        %gather3A_219 = tpu.vector_load_idx %arg6[%broadcast_in_dim3A_18, %broadcast_in_dim3A_184, %get3A_15] : memref<2x32x512xf32, #tpu.memory_space<vmem>>[vector<16xi32>, vector<16xi32>, vector<16xi32>], vector<16xf32>,
        %swap3A_220 = arith.constant 0 : i32
        %swap3A_221 = arith.index_cast %swap3A_220 : i32 to index
        %swap3A_222 = arith.index_cast %add3A_183 : i32 to index
        %swap3A_223 = arith.constant 96 : index
        %swap3A_224 = tpu.vector_load %arg7[%swap3A_221, %swap3A_222, %swap3A_223] {strides = array<i32>} : memref<2x32x128xf32, #tpu.memory_space<vmem>>, vector<16xf32>,
        tpu.vector_store %arg7[%swap3A_221, %swap3A_222, %swap3A_223], %gather3A_219 {strides = array<i32>} : memref<2x32x128xf32, #tpu.memory_space<vmem>>, vector<16xf32>,
        %gather3A_225 = tpu.vector_load_idx %arg6[%broadcast_in_dim3A_18, %broadcast_in_dim3A_184, %get3A_17] : memref<2x32x512xf32, #tpu.memory_space<vmem>>[vector<16xi32>, vector<16xi32>, vector<16xi32>], vector<16xf32>,
        %swap3A_226 = arith.constant 0 : i32
        %swap3A_227 = arith.index_cast %swap3A_226 : i32 to index
        %swap3A_228 = arith.index_cast %add3A_183 : i32 to index
        %swap3A_229 = arith.constant 112 : index
        %swap3A_230 = tpu.vector_load %arg7[%swap3A_227, %swap3A_228, %swap3A_229] {strides = array<i32>} : memref<2x32x128xf32, #tpu.memory_space<vmem>>, vector<16xf32>,
        tpu.vector_store %arg7[%swap3A_227, %swap3A_228, %swap3A_229], %gather3A_225 {strides = array<i32>} : memref<2x32x128xf32, #tpu.memory_space<vmem>>, vector<16xf32>,
        %mul3A_231 = arith.constant 4 : i32
        %mul3A_232 = arith.muli %scan3A_179, %mul3A_231 : i32
        %add3A_233 = arith.constant 1 : i32
        %add3A_234 = arith.addi %mul3A_232, %add3A_233 : i32
        %broadcast_in_dim3A_235 = vector.broadcast %add3A_234 : i32 to vector<16xi32>
        %gather3A_236 = tpu.vector_load_idx %arg6[%broadcast_in_dim3A_18, %broadcast_in_dim3A_235, %get3A_3] : memref<2x32x512xf32, #tpu.memory_space<vmem>>[vector<16xi32>, vector<16xi32>, vector<16xi32>], vector<16xf32>,
        %swap3A_237 = arith.constant 0 : i32
        %swap3A_238 = arith.index_cast %swap3A_237 : i32 to index
        %swap3A_239 = arith.index_cast %add3A_234 : i32 to index
        %swap3A_240 = arith.constant 0 : index
        %swap3A_241 = tpu.vector_load %arg7[%swap3A_238, %swap3A_239, %swap3A_240] {strides = array<i32>} : memref<2x32x128xf32, #tpu.memory_space<vmem>>, vector<16xf32>,
        tpu.vector_store %arg7[%swap3A_238, %swap3A_239, %swap3A_240], %gather3A_236 {strides = array<i32>} : memref<2x32x128xf32, #tpu.memory_space<vmem>>, vector<16xf32>,
        %gather3A_242 = tpu.vector_load_idx %arg6[%broadcast_in_dim3A_18, %broadcast_in_dim3A_235, %get3A_5] : memref<2x32x512xf32, #tpu.memory_space<vmem>>[vector<16xi32>, vector<16xi32>, vector<16xi32>], vector<16xf32>,
        %swap3A_243 = arith.constant 0 : i32
        %swap3A_244 = arith.index_cast %swap3A_243 : i32 to index
        %swap3A_245 = arith.index_cast %add3A_234 : i32 to index
        %swap3A_246 = arith.constant 16 : index
        %swap3A_247 = tpu.vector_load %arg7[%swap3A_244, %swap3A_245, %swap3A_246] {strides = array<i32>} : memref<2x32x128xf32, #tpu.memory_space<vmem>>, vector<16xf32>,
        tpu.vector_store %arg7[%swap3A_244, %swap3A_245, %swap3A_246], %gather3A_242 {strides = array<i32>} : memref<2x32x128xf32, #tpu.memory_space<vmem>>, vector<16xf32>,
        %gather3A_248 = tpu.vector_load_idx %arg6[%broadcast_in_dim3A_18, %broadcast_in_dim3A_235, %get3A_7] : memref<2x32x512xf32, #tpu.memory_space<vmem>>[vector<16xi32>, vector<16xi32>, vector<16xi32>], vector<16xf32>,
        %swap3A_249 = arith.constant 0 : i32
        %swap3A_250 = arith.index_cast %swap3A_249 : i32 to index
        %swap3A_251 = arith.index_cast %add3A_234 : i32 to index
        %swap3A_252 = arith.constant 32 : index
        %swap3A_253 = tpu.vector_load %arg7[%swap3A_250, %swap3A_251, %swap3A_252] {strides = array<i32>} : memref<2x32x128xf32, #tpu.memory_space<vmem>>, vector<16xf32>,
        tpu.vector_store %arg7[%swap3A_250, %swap3A_251, %swap3A_252], %gather3A_248 {strides = array<i32>} : memref<2x32x128xf32, #tpu.memory_space<vmem>>, vector<16xf32>,
        %gather3A_254 = tpu.vector_load_idx %arg6[%broadcast_in_dim3A_18, %broadcast_in_dim3A_235, %get3A_9] : memref<2x32x512xf32, #tpu.memory_space<vmem>>[vector<16xi32>, vector<16xi32>, vector<16xi32>], vector<16xf32>,
        %swap3A_255 = arith.constant 0 : i32
        %swap3A_256 = arith.index_cast %swap3A_255 : i32 to index
        %swap3A_257 = arith.index_cast %add3A_234 : i32 to index
        %swap3A_258 = arith.constant 48 : index
        %swap3A_259 = tpu.vector_load %arg7[%swap3A_256, %swap3A_257, %swap3A_258] {strides = array<i32>} : memref<2x32x128xf32, #tpu.memory_space<vmem>>, vector<16xf32>,
        tpu.vector_store %arg7[%swap3A_256, %swap3A_257, %swap3A_258], %gather3A_254 {strides = array<i32>} : memref<2x32x128xf32, #tpu.memory_space<vmem>>, vector<16xf32>,
        %gather3A_260 = tpu.vector_load_idx %arg6[%broadcast_in_dim3A_18, %broadcast_in_dim3A_235, %get3A_11] : memref<2x32x512xf32, #tpu.memory_space<vmem>>[vector<16xi32>, vector<16xi32>, vector<16xi32>], vector<16xf32>,
        %swap3A_261 = arith.constant 0 : i32
        %swap3A_262 = arith.index_cast %swap3A_261 : i32 to index
        %swap3A_263 = arith.index_cast %add3A_234 : i32 to index
        %swap3A_264 = arith.constant 64 : index
        %swap3A_265 = tpu.vector_load %arg7[%swap3A_262, %swap3A_263, %swap3A_264] {strides = array<i32>} : memref<2x32x128xf32, #tpu.memory_space<vmem>>, vector<16xf32>,
        tpu.vector_store %arg7[%swap3A_262, %swap3A_263, %swap3A_264], %gather3A_260 {strides = array<i32>} : memref<2x32x128xf32, #tpu.memory_space<vmem>>, vector<16xf32>,
        %gather3A_266 = tpu.vector_load_idx %arg6[%broadcast_in_dim3A_18, %broadcast_in_dim3A_235, %get3A_13] : memref<2x32x512xf32, #tpu.memory_space<vmem>>[vector<16xi32>, vector<16xi32>, vector<16xi32>], vector<16xf32>,
        %swap3A_267 = arith.constant 0 : i32
        %swap3A_268 = arith.index_cast %swap3A_267 : i32 to index
        %swap3A_269 = arith.index_cast %add3A_234 : i32 to index
        %swap3A_270 = arith.constant 80 : index
        %swap3A_271 = tpu.vector_load %arg7[%swap3A_268, %swap3A_269, %swap3A_270] {strides = array<i32>} : memref<2x32x128xf32, #tpu.memory_space<vmem>>, vector<16xf32>,
        tpu.vector_store %arg7[%swap3A_268, %swap3A_269, %swap3A_270], %gather3A_266 {strides = array<i32>} : memref<2x32x128xf32, #tpu.memory_space<vmem>>, vector<16xf32>,
        %gather3A_272 = tpu.vector_load_idx %arg6[%broadcast_in_dim3A_18, %broadcast_in_dim3A_235, %get3A_15] : memref<2x32x512xf32, #tpu.memory_space<vmem>>[vector<16xi32>, vector<16xi32>, vector<16xi32>], vector<16xf32>,
        %swap3A_273 = arith.constant 0 : i32
        %swap3A_274 = arith.index_cast %swap3A_273 : i32 to index
        %swap3A_275 = arith.index_cast %add3A_234 : i32 to index
        %swap3A_276 = arith.constant 96 : index
        %swap3A_277 = tpu.vector_load %arg7[%swap3A_274, %swap3A_275, %swap3A_276] {strides = array<i32>} : memref<2x32x128xf32, #tpu.memory_space<vmem>>, vector<16xf32>,
        tpu.vector_store %arg7[%swap3A_274, %swap3A_275, %swap3A_276], %gather3A_272 {strides = array<i32>} : memref<2x32x128xf32, #tpu.memory_space<vmem>>, vector<16xf32>,
        %gather3A_278 = tpu.vector_load_idx %arg6[%broadcast_in_dim3A_18, %broadcast_in_dim3A_235, %get3A_17] : memref<2x32x512xf32, #tpu.memory_space<vmem>>[vector<16xi32>, vector<16xi32>, vector<16xi32>], vector<16xf32>,
        %swap3A_279 = arith.constant 0 : i32
        %swap3A_280 = arith.index_cast %swap3A_279 : i32 to index
        %swap3A_281 = arith.index_cast %add3A_234 : i32 to index
        %swap3A_282 = arith.constant 112 : index
        %swap3A_283 = tpu.vector_load %arg7[%swap3A_280, %swap3A_281, %swap3A_282] {strides = array<i32>} : memref<2x32x128xf32, #tpu.memory_space<vmem>>, vector<16xf32>,
        tpu.vector_store %arg7[%swap3A_280, %swap3A_281, %swap3A_282], %gather3A_278 {strides = array<i32>} : memref<2x32x128xf32, #tpu.memory_space<vmem>>, vector<16xf32>,
        %mul3A_284 = arith.constant 4 : i32
        %mul3A_285 = arith.muli %scan3A_179, %mul3A_284 : i32
        %add3A_286 = arith.constant 2 : i32
        %add3A_287 = arith.addi %mul3A_285, %add3A_286 : i32
        %broadcast_in_dim3A_288 = vector.broadcast %add3A_287 : i32 to vector<16xi32>
        %gather3A_289 = tpu.vector_load_idx %arg6[%broadcast_in_dim3A_18, %broadcast_in_dim3A_288, %get3A_3] : memref<2x32x512xf32, #tpu.memory_space<vmem>>[vector<16xi32>, vector<16xi32>, vector<16xi32>], vector<16xf32>,
        %swap3A_290 = arith.constant 0 : i32
        %swap3A_291 = arith.index_cast %swap3A_290 : i32 to index
        %swap3A_292 = arith.index_cast %add3A_287 : i32 to index
        %swap3A_293 = arith.constant 0 : index
        %swap3A_294 = tpu.vector_load %arg7[%swap3A_291, %swap3A_292, %swap3A_293] {strides = array<i32>} : memref<2x32x128xf32, #tpu.memory_space<vmem>>, vector<16xf32>,
        tpu.vector_store %arg7[%swap3A_291, %swap3A_292, %swap3A_293], %gather3A_289 {strides = array<i32>} : memref<2x32x128xf32, #tpu.memory_space<vmem>>, vector<16xf32>,
        %gather3A_295 = tpu.vector_load_idx %arg6[%broadcast_in_dim3A_18, %broadcast_in_dim3A_288, %get3A_5] : memref<2x32x512xf32, #tpu.memory_space<vmem>>[vector<16xi32>, vector<16xi32>, vector<16xi32>], vector<16xf32>,
        %swap3A_296 = arith.constant 0 : i32
        %swap3A_297 = arith.index_cast %swap3A_296 : i32 to index
        %swap3A_298 = arith.index_cast %add3A_287 : i32 to index
        %swap3A_299 = arith.constant 16 : index
        %swap3A_300 = tpu.vector_load %arg7[%swap3A_297, %swap3A_298, %swap3A_299] {strides = array<i32>} : memref<2x32x128xf32, #tpu.memory_space<vmem>>, vector<16xf32>,
        tpu.vector_store %arg7[%swap3A_297, %swap3A_298, %swap3A_299], %gather3A_295 {strides = array<i32>} : memref<2x32x128xf32, #tpu.memory_space<vmem>>, vector<16xf32>,
        %gather3A_301 = tpu.vector_load_idx %arg6[%broadcast_in_dim3A_18, %broadcast_in_dim3A_288, %get3A_7] : memref<2x32x512xf32, #tpu.memory_space<vmem>>[vector<16xi32>, vector<16xi32>, vector<16xi32>], vector<16xf32>,
        %swap3A_302 = arith.constant 0 : i32
        %swap3A_303 = arith.index_cast %swap3A_302 : i32 to index
        %swap3A_304 = arith.index_cast %add3A_287 : i32 to index
        %swap3A_305 = arith.constant 32 : index
        %swap3A_306 = tpu.vector_load %arg7[%swap3A_303, %swap3A_304, %swap3A_305] {strides = array<i32>} : memref<2x32x128xf32, #tpu.memory_space<vmem>>, vector<16xf32>,
        tpu.vector_store %arg7[%swap3A_303, %swap3A_304, %swap3A_305], %gather3A_301 {strides = array<i32>} : memref<2x32x128xf32, #tpu.memory_space<vmem>>, vector<16xf32>,
        %gather3A_307 = tpu.vector_load_idx %arg6[%broadcast_in_dim3A_18, %broadcast_in_dim3A_288, %get3A_9] : memref<2x32x512xf32, #tpu.memory_space<vmem>>[vector<16xi32>, vector<16xi32>, vector<16xi32>], vector<16xf32>,
        %swap3A_308 = arith.constant 0 : i32
        %swap3A_309 = arith.index_cast %swap3A_308 : i32 to index
        %swap3A_310 = arith.index_cast %add3A_287 : i32 to index
        %swap3A_311 = arith.constant 48 : index
        %swap3A_312 = tpu.vector_load %arg7[%swap3A_309, %swap3A_310, %swap3A_311] {strides = array<i32>} : memref<2x32x128xf32, #tpu.memory_space<vmem>>, vector<16xf32>,
        tpu.vector_store %arg7[%swap3A_309, %swap3A_310, %swap3A_311], %gather3A_307 {strides = array<i32>} : memref<2x32x128xf32, #tpu.memory_space<vmem>>, vector<16xf32>,
        %gather3A_313 = tpu.vector_load_idx %arg6[%broadcast_in_dim3A_18, %broadcast_in_dim3A_288, %get3A_11] : memref<2x32x512xf32, #tpu.memory_space<vmem>>[vector<16xi32>, vector<16xi32>, vector<16xi32>], vector<16xf32>,
        %swap3A_314 = arith.constant 0 : i32
        %swap3A_315 = arith.index_cast %swap3A_314 : i32 to index
        %swap3A_316 = arith.index_cast %add3A_287 : i32 to index
        %swap3A_317 = arith.constant 64 : index
        %swap3A_318 = tpu.vector_load %arg7[%swap3A_315, %swap3A_316, %swap3A_317] {strides = array<i32>} : memref<2x32x128xf32, #tpu.memory_space<vmem>>, vector<16xf32>,
        tpu.vector_store %arg7[%swap3A_315, %swap3A_316, %swap3A_317], %gather3A_313 {strides = array<i32>} : memref<2x32x128xf32, #tpu.memory_space<vmem>>, vector<16xf32>,
        %gather3A_319 = tpu.vector_load_idx %arg6[%broadcast_in_dim3A_18, %broadcast_in_dim3A_288, %get3A_13] : memref<2x32x512xf32, #tpu.memory_space<vmem>>[vector<16xi32>, vector<16xi32>, vector<16xi32>], vector<16xf32>,
        %swap3A_320 = arith.constant 0 : i32
        %swap3A_321 = arith.index_cast %swap3A_320 : i32 to index
        %swap3A_322 = arith.index_cast %add3A_287 : i32 to index
        %swap3A_323 = arith.constant 80 : index
        %swap3A_324 = tpu.vector_load %arg7[%swap3A_321, %swap3A_322, %swap3A_323] {strides = array<i32>} : memref<2x32x128xf32, #tpu.memory_space<vmem>>, vector<16xf32>,
        tpu.vector_store %arg7[%swap3A_321, %swap3A_322, %swap3A_323], %gather3A_319 {strides = array<i32>} : memref<2x32x128xf32, #tpu.memory_space<vmem>>, vector<16xf32>,
        %gather3A_325 = tpu.vector_load_idx %arg6[%broadcast_in_dim3A_18, %broadcast_in_dim3A_288, %get3A_15] : memref<2x32x512xf32, #tpu.memory_space<vmem>>[vector<16xi32>, vector<16xi32>, vector<16xi32>], vector<16xf32>,
        %swap3A_326 = arith.constant 0 : i32
        %swap3A_327 = arith.index_cast %swap3A_326 : i32 to index
        %swap3A_328 = arith.index_cast %add3A_287 : i32 to index
        %swap3A_329 = arith.constant 96 : index
        %swap3A_330 = tpu.vector_load %arg7[%swap3A_327, %swap3A_328, %swap3A_329] {strides = array<i32>} : memref<2x32x128xf32, #tpu.memory_space<vmem>>, vector<16xf32>,
        tpu.vector_store %arg7[%swap3A_327, %swap3A_328, %swap3A_329], %gather3A_325 {strides = array<i32>} : memref<2x32x128xf32, #tpu.memory_space<vmem>>, vector<16xf32>,
        %gather3A_331 = tpu.vector_load_idx %arg6[%broadcast_in_dim3A_18, %broadcast_in_dim3A_288, %get3A_17] : memref<2x32x512xf32, #tpu.memory_space<vmem>>[vector<16xi32>, vector<16xi32>, vector<16xi32>], vector<16xf32>,
        %swap3A_332 = arith.constant 0 : i32
        %swap3A_333 = arith.index_cast %swap3A_332 : i32 to index
        %swap3A_334 = arith.index_cast %add3A_287 : i32 to index
        %swap3A_335 = arith.constant 112 : index
        %swap3A_336 = tpu.vector_load %arg7[%swap3A_333, %swap3A_334, %swap3A_335] {strides = array<i32>} : memref<2x32x128xf32, #tpu.memory_space<vmem>>, vector<16xf32>,
        tpu.vector_store %arg7[%swap3A_333, %swap3A_334, %swap3A_335], %gather3A_331 {strides = array<i32>} : memref<2x32x128xf32, #tpu.memory_space<vmem>>, vector<16xf32>,
        %mul3A_337 = arith.constant 4 : i32
        %mul3A_338 = arith.muli %scan3A_179, %mul3A_337 : i32
        %add3A_339 = arith.constant 3 : i32
        %add3A_340 = arith.addi %mul3A_338, %add3A_339 : i32
        %broadcast_in_dim3A_341 = vector.broadcast %add3A_340 : i32 to vector<16xi32>
        %gather3A_342 = tpu.vector_load_idx %arg6[%broadcast_in_dim3A_18, %broadcast_in_dim3A_341, %get3A_3] : memref<2x32x512xf32, #tpu.memory_space<vmem>>[vector<16xi32>, vector<16xi32>, vector<16xi32>], vector<16xf32>,
        %swap3A_343 = arith.constant 0 : i32
        %swap3A_344 = arith.index_cast %swap3A_343 : i32 to index
        %swap3A_345 = arith.index_cast %add3A_340 : i32 to index
        %swap3A_346 = arith.constant 0 : index
        %swap3A_347 = tpu.vector_load %arg7[%swap3A_344, %swap3A_345, %swap3A_346] {strides = array<i32>} : memref<2x32x128xf32, #tpu.memory_space<vmem>>, vector<16xf32>,
        tpu.vector_store %arg7[%swap3A_344, %swap3A_345, %swap3A_346], %gather3A_342 {strides = array<i32>} : memref<2x32x128xf32, #tpu.memory_space<vmem>>, vector<16xf32>,
        %gather3A_348 = tpu.vector_load_idx %arg6[%broadcast_in_dim3A_18, %broadcast_in_dim3A_341, %get3A_5] : memref<2x32x512xf32, #tpu.memory_space<vmem>>[vector<16xi32>, vector<16xi32>, vector<16xi32>], vector<16xf32>,
        %swap3A_349 = arith.constant 0 : i32
        %swap3A_350 = arith.index_cast %swap3A_349 : i32 to index
        %swap3A_351 = arith.index_cast %add3A_340 : i32 to index
        %swap3A_352 = arith.constant 16 : index
        %swap3A_353 = tpu.vector_load %arg7[%swap3A_350, %swap3A_351, %swap3A_352] {strides = array<i32>} : memref<2x32x128xf32, #tpu.memory_space<vmem>>, vector<16xf32>,
        tpu.vector_store %arg7[%swap3A_350, %swap3A_351, %swap3A_352], %gather3A_348 {strides = array<i32>} : memref<2x32x128xf32, #tpu.memory_space<vmem>>, vector<16xf32>,
        %gather3A_354 = tpu.vector_load_idx %arg6[%broadcast_in_dim3A_18, %broadcast_in_dim3A_341, %get3A_7] : memref<2x32x512xf32, #tpu.memory_space<vmem>>[vector<16xi32>, vector<16xi32>, vector<16xi32>], vector<16xf32>,
        %swap3A_355 = arith.constant 0 : i32
        %swap3A_356 = arith.index_cast %swap3A_355 : i32 to index
        %swap3A_357 = arith.index_cast %add3A_340 : i32 to index
        %swap3A_358 = arith.constant 32 : index
        %swap3A_359 = tpu.vector_load %arg7[%swap3A_356, %swap3A_357, %swap3A_358] {strides = array<i32>} : memref<2x32x128xf32, #tpu.memory_space<vmem>>, vector<16xf32>,
        tpu.vector_store %arg7[%swap3A_356, %swap3A_357, %swap3A_358], %gather3A_354 {strides = array<i32>} : memref<2x32x128xf32, #tpu.memory_space<vmem>>, vector<16xf32>,
        %gather3A_360 = tpu.vector_load_idx %arg6[%broadcast_in_dim3A_18, %broadcast_in_dim3A_341, %get3A_9] : memref<2x32x512xf32, #tpu.memory_space<vmem>>[vector<16xi32>, vector<16xi32>, vector<16xi32>], vector<16xf32>,
        %swap3A_361 = arith.constant 0 : i32
        %swap3A_362 = arith.index_cast %swap3A_361 : i32 to index
        %swap3A_363 = arith.index_cast %add3A_340 : i32 to index
        %swap3A_364 = arith.constant 48 : index
        %swap3A_365 = tpu.vector_load %arg7[%swap3A_362, %swap3A_363, %swap3A_364] {strides = array<i32>} : memref<2x32x128xf32, #tpu.memory_space<vmem>>, vector<16xf32>,
        tpu.vector_store %arg7[%swap3A_362, %swap3A_363, %swap3A_364], %gather3A_360 {strides = array<i32>} : memref<2x32x128xf32, #tpu.memory_space<vmem>>, vector<16xf32>,
        %gather3A_366 = tpu.vector_load_idx %arg6[%broadcast_in_dim3A_18, %broadcast_in_dim3A_341, %get3A_11] : memref<2x32x512xf32, #tpu.memory_space<vmem>>[vector<16xi32>, vector<16xi32>, vector<16xi32>], vector<16xf32>,
        %swap3A_367 = arith.constant 0 : i32
        %swap3A_368 = arith.index_cast %swap3A_367 : i32 to index
        %swap3A_369 = arith.index_cast %add3A_340 : i32 to index
        %swap3A_370 = arith.constant 64 : index
        %swap3A_371 = tpu.vector_load %arg7[%swap3A_368, %swap3A_369, %swap3A_370] {strides = array<i32>} : memref<2x32x128xf32, #tpu.memory_space<vmem>>, vector<16xf32>,
        tpu.vector_store %arg7[%swap3A_368, %swap3A_369, %swap3A_370], %gather3A_366 {strides = array<i32>} : memref<2x32x128xf32, #tpu.memory_space<vmem>>, vector<16xf32>,
        %gather3A_372 = tpu.vector_load_idx %arg6[%broadcast_in_dim3A_18, %broadcast_in_dim3A_341, %get3A_13] : memref<2x32x512xf32, #tpu.memory_space<vmem>>[vector<16xi32>, vector<16xi32>, vector<16xi32>], vector<16xf32>,
        %swap3A_373 = arith.constant 0 : i32
        %swap3A_374 = arith.index_cast %swap3A_373 : i32 to index
        %swap3A_375 = arith.index_cast %add3A_340 : i32 to index
        %swap3A_376 = arith.constant 80 : index
        %swap3A_377 = tpu.vector_load %arg7[%swap3A_374, %swap3A_375, %swap3A_376] {strides = array<i32>} : memref<2x32x128xf32, #tpu.memory_space<vmem>>, vector<16xf32>,
        tpu.vector_store %arg7[%swap3A_374, %swap3A_375, %swap3A_376], %gather3A_372 {strides = array<i32>} : memref<2x32x128xf32, #tpu.memory_space<vmem>>, vector<16xf32>,
        %gather3A_378 = tpu.vector_load_idx %arg6[%broadcast_in_dim3A_18, %broadcast_in_dim3A_341, %get3A_15] : memref<2x32x512xf32, #tpu.memory_space<vmem>>[vector<16xi32>, vector<16xi32>, vector<16xi32>], vector<16xf32>,
        %swap3A_379 = arith.constant 0 : i32
        %swap3A_380 = arith.index_cast %swap3A_379 : i32 to index
        %swap3A_381 = arith.index_cast %add3A_340 : i32 to index
        %swap3A_382 = arith.constant 96 : index
        %swap3A_383 = tpu.vector_load %arg7[%swap3A_380, %swap3A_381, %swap3A_382] {strides = array<i32>} : memref<2x32x128xf32, #tpu.memory_space<vmem>>, vector<16xf32>,
        tpu.vector_store %arg7[%swap3A_380, %swap3A_381, %swap3A_382], %gather3A_378 {strides = array<i32>} : memref<2x32x128xf32, #tpu.memory_space<vmem>>, vector<16xf32>,
        %gather3A_384 = tpu.vector_load_idx %arg6[%broadcast_in_dim3A_18, %broadcast_in_dim3A_341, %get3A_17] : memref<2x32x512xf32, #tpu.memory_space<vmem>>[vector<16xi32>, vector<16xi32>, vector<16xi32>], vector<16xf32>,
        %swap3A_385 = arith.constant 0 : i32
        %swap3A_386 = arith.index_cast %swap3A_385 : i32 to index
        %swap3A_387 = arith.index_cast %add3A_340 : i32 to index
        %swap3A_388 = arith.constant 112 : index
        %swap3A_389 = tpu.vector_load %arg7[%swap3A_386, %swap3A_387, %swap3A_388] {strides = array<i32>} : memref<2x32x128xf32, #tpu.memory_space<vmem>>, vector<16xf32>,
        tpu.vector_store %arg7[%swap3A_386, %swap3A_387, %swap3A_388], %gather3A_384 {strides = array<i32>} : memref<2x32x128xf32, #tpu.memory_space<vmem>>, vector<16xf32>,
      }
      %scan3A_112 = arith.constant 8 : i32
      %dma_start3A_113 = arith.constant 0 : i32
      %dma_start3A_114 = arith.constant 0 : i32
      %dma_start3A_115 = arith.constant 0 : i32
      %dma_start3A_116 = tpu.memref_slice %arg7[%dma_start3A_113, %dma_start3A_114, %dma_start3A_115] : memref<2x32x128xf32, #tpu.memory_space<vmem>> -> memref<1x32x128xf32, #tpu.memory_space<vmem>>
      %dma_start3A_117 = tpu.memref_squeeze %dma_start3A_116 : memref<1x32x128xf32, #tpu.memory_space<vmem>> -> memref<32x128xf32, #tpu.memory_space<vmem>>
      %dma_start3A_118 = arith.constant 0 : i32
      %dma_start3A_119 = tpu.memref_slice %arg4[%add3A_91, %dma_start3A_118] : memref<6144x128xf32, #tpu.memory_space<hbm>> -> memref<32x128xf32, #tpu.memory_space<hbm>>
      %dma_start3A_120 = arith.constant 0 : i32
      %dma_start3A_121 = tpu.memref_slice %arg4[%add3A_91, %dma_start3A_120] : memref<6144x128xf32, #tpu.memory_space<hbm>> -> memref<32x128xf32, #tpu.memory_space<hbm>>
      %dma_start3A_122 = arith.constant 0 : i32
      %dma_start3A_123 = arith.constant 0 : i32
      %dma_start3A_124 = tpu.memref_slice %arg7[%dma_start3A_113, %dma_start3A_122, %dma_start3A_123] : memref<2x32x128xf32, #tpu.memory_space<vmem>> -> memref<1x32x128xf32, #tpu.memory_space<vmem>>
      %dma_start3A_125 = tpu.memref_squeeze %dma_start3A_124 : memref<1x32x128xf32, #tpu.memory_space<vmem>> -> memref<32x128xf32, #tpu.memory_space<vmem>>
      tpu.enqueue_dma source(%dma_start3A_125 : memref<32x128xf32, #tpu.memory_space<vmem>>) target(%dma_start3A_121 : memref<32x128xf32, #tpu.memory_space<hbm>>) target_semaphore(%arg10 : memref<!tpu.dma_semaphore, #tpu.memory_space<semaphore_mem>>)
      %lt3A = arith.constant 2 : i32
      %lt3A_126 = arith.cmpi slt, %scan3A_84, %lt3A : i32
      %convert_element_type3A_127 = arith.extui %lt3A_126 : i1 to i32
      %cond3A_128 = arith.constant 0 : i32
      %cond3A_129 = arith.cmpi ne, %convert_element_type3A_127, %cond3A_128 : i32
      scf.if %cond3A_129 {
        %add3A_179 = arith.constant 64 : i32
        %add3A_180 = arith.addi %add3A_91, %add3A_179 : i32
        %dma_start3A_181 = arith.constant 0 : i32
        %dma_start3A_182 = arith.constant 0 : i32
        %dma_start3A_183 = arith.constant 0 : i32
        %dma_start3A_184 = tpu.memref_slice %arg6[%dma_start3A_181, %dma_start3A_182, %dma_start3A_183] : memref<2x32x512xf32, #tpu.memory_space<vmem>> -> memref<1x32x512xf32, #tpu.memory_space<vmem>>
        %dma_start3A_185 = tpu.memref_squeeze %dma_start3A_184 : memref<1x32x512xf32, #tpu.memory_space<vmem>> -> memref<32x512xf32, #tpu.memory_space<vmem>>
        %dma_start3A_186 = arith.constant 0 : i32
        %dma_start3A_187 = tpu.memref_slice %arg2[%add3A_180, %dma_start3A_186] : memref<16384x512xf32, #tpu.memory_space<hbm>> -> memref<32x512xf32, #tpu.memory_space<hbm>>
        %dma_start3A_188 = arith.constant 0 : i32
        %dma_start3A_189 = arith.constant 0 : i32
        %dma_start3A_190 = tpu.memref_slice %arg6[%dma_start3A_181, %dma_start3A_188, %dma_start3A_189] : memref<2x32x512xf32, #tpu.memory_space<vmem>> -> memref<1x32x512xf32, #tpu.memory_space<vmem>>
        %dma_start3A_191 = tpu.memref_squeeze %dma_start3A_190 : memref<1x32x512xf32, #tpu.memory_space<vmem>> -> memref<32x512xf32, #tpu.memory_space<vmem>>
        %dma_start3A_192 = arith.constant 0 : i32
        %dma_start3A_193 = tpu.memref_slice %arg2[%add3A_180, %dma_start3A_192] : memref<16384x512xf32, #tpu.memory_space<hbm>> -> memref<32x512xf32, #tpu.memory_space<hbm>>
        tpu.enqueue_dma source(%dma_start3A_193 : memref<32x512xf32, #tpu.memory_space<hbm>>) target(%dma_start3A_191 : memref<32x512xf32, #tpu.memory_space<vmem>>) target_semaphore(%arg8 : memref<!tpu.dma_semaphore, #tpu.memory_space<semaphore_mem>>)
      } else {
      }
      %mul3A_130 = arith.constant 2 : i32
      %mul3A_131 = arith.muli %scan3A_84, %mul3A_130 : i32
      %add3A_132 = arith.constant 1 : i32
      %add3A_133 = arith.addi %mul3A_131, %add3A_132 : i32
      %mul3A_134 = arith.constant 32 : i32
      %mul3A_135 = arith.muli %add3A_133, %mul3A_134 : i32
      %add3A_136 = arith.addi %mul3A_2, %mul3A_135 : i32
      %dma_wait3A_137 = arith.constant 1 : i32
      %dma_wait3A_138 = arith.constant 0 : i32
      %dma_wait3A_139 = arith.constant 0 : i32
      %dma_wait3A_140 = tpu.memref_slice %arg6[%dma_wait3A_137, %dma_wait3A_138, %dma_wait3A_139] : memref<2x32x512xf32, #tpu.memory_space<vmem>> -> memref<1x32x512xf32, #tpu.memory_space<vmem>>
      %dma_wait3A_141 = tpu.memref_squeeze %dma_wait3A_140 : memref<1x32x512xf32, #tpu.memory_space<vmem>> -> memref<32x512xf32, #tpu.memory_space<vmem>>
      %dma_wait3A_142 = arith.constant 0 : i32
      %dma_wait3A_143 = tpu.memref_slice %arg2[%add3A_136, %dma_wait3A_142] : memref<16384x512xf32, #tpu.memory_space<hbm>> -> memref<32x512xf32, #tpu.memory_space<hbm>>
      %dma_wait3A_144 = arith.constant 0 : i32
      %dma_wait3A_145 = arith.constant 0 : i32
      %dma_wait3A_146 = tpu.memref_slice %arg6[%dma_wait3A_137, %dma_wait3A_144, %dma_wait3A_145] : memref<2x32x512xf32, #tpu.memory_space<vmem>> -> memref<1x32x512xf32, #tpu.memory_space<vmem>>
      %dma_wait3A_147 = tpu.memref_squeeze %dma_wait3A_146 : memref<1x32x512xf32, #tpu.memory_space<vmem>> -> memref<32x512xf32, #tpu.memory_space<vmem>>
      %dma_wait3A_148 = arith.constant 0 : i32
      %dma_wait3A_149 = tpu.memref_slice %arg2[%add3A_136, %dma_wait3A_148] : memref<16384x512xf32, #tpu.memory_space<hbm>> -> memref<32x512xf32, #tpu.memory_space<hbm>>
      tpu.wait_dma2 semaphore(%arg9 : memref<!tpu.dma_semaphore, #tpu.memory_space<semaphore_mem>>) src(%dma_wait3A_149 : memref<32x512xf32, #tpu.memory_space<hbm>>) dst(%dma_wait3A_147 : memref<32x512xf32, #tpu.memory_space<vmem>>)
      %gt3A_150 = arith.constant 0 : i32
      %gt3A_151 = arith.cmpi sgt, %scan3A_84, %gt3A_150 : i32
      %convert_element_type3A_152 = arith.extui %gt3A_151 : i1 to i32
      %cond3A_153 = arith.constant 0 : i32
      %cond3A_154 = arith.cmpi ne, %convert_element_type3A_152, %cond3A_153 : i32
      scf.if %cond3A_154 {
        %dma_wait3A_179 = arith.constant 1 : i32
        %dma_wait3A_180 = arith.constant 0 : i32
        %dma_wait3A_181 = arith.constant 0 : i32
        %dma_wait3A_182 = tpu.memref_slice %arg7[%dma_wait3A_179, %dma_wait3A_180, %dma_wait3A_181] : memref<2x32x128xf32, #tpu.memory_space<vmem>> -> memref<1x32x128xf32, #tpu.memory_space<vmem>>
        %dma_wait3A_183 = tpu.memref_squeeze %dma_wait3A_182 : memref<1x32x128xf32, #tpu.memory_space<vmem>> -> memref<32x128xf32, #tpu.memory_space<vmem>>
        %dma_wait3A_184 = arith.constant 0 : i32
        %dma_wait3A_185 = tpu.memref_slice %arg4[%add3A_136, %dma_wait3A_184] : memref<6144x128xf32, #tpu.memory_space<hbm>> -> memref<32x128xf32, #tpu.memory_space<hbm>>
        %dma_wait3A_186 = arith.constant 0 : i32
        %dma_wait3A_187 = tpu.memref_slice %arg4[%add3A_136, %dma_wait3A_186] : memref<6144x128xf32, #tpu.memory_space<hbm>> -> memref<32x128xf32, #tpu.memory_space<hbm>>
        %dma_wait3A_188 = arith.constant 0 : i32
        %dma_wait3A_189 = arith.constant 0 : i32
        %dma_wait3A_190 = tpu.memref_slice %arg7[%dma_wait3A_179, %dma_wait3A_188, %dma_wait3A_189] : memref<2x32x128xf32, #tpu.memory_space<vmem>> -> memref<1x32x128xf32, #tpu.memory_space<vmem>>
        %dma_wait3A_191 = tpu.memref_squeeze %dma_wait3A_190 : memref<1x32x128xf32, #tpu.memory_space<vmem>> -> memref<32x128xf32, #tpu.memory_space<vmem>>
        tpu.wait_dma2 semaphore(%arg11 : memref<!tpu.dma_semaphore, #tpu.memory_space<semaphore_mem>>) src(%dma_wait3A_191 : memref<32x128xf32, #tpu.memory_space<vmem>>) dst(%dma_wait3A_187 : memref<32x128xf32, #tpu.memory_space<hbm>>)
      } else {
      }
      %scan3A_155 = arith.constant 0 : i32
      %scan3A_156 = arith.constant 0 : i32
      %scan3A_157 = arith.constant 8 : i32
      %scan3A_158 = arith.addi %scan3A_156, %scan3A_157 : i32
      %scan3A_159 = arith.constant 1 : i32
      scf.for %scan3A_179 = %scan3A_156 to %scan3A_158 step %scan3A_159  : i32 {
        %mul3A_180 = arith.constant 4 : i32
        %mul3A_181 = arith.muli %scan3A_179, %mul3A_180 : i32
        %add3A_182 = arith.constant 0 : i32
        %add3A_183 = arith.addi %mul3A_181, %add3A_182 : i32
        %broadcast_in_dim3A_184 = vector.broadcast %add3A_183 : i32 to vector<16xi32>
        %gather3A = tpu.vector_load_idx %arg6[%broadcast_in_dim3A_20, %broadcast_in_dim3A_184, %get3A_3] : memref<2x32x512xf32, #tpu.memory_space<vmem>>[vector<16xi32>, vector<16xi32>, vector<16xi32>], vector<16xf32>,
        %swap3A = arith.constant 1 : i32
        %swap3A_185 = arith.index_cast %swap3A : i32 to index
        %swap3A_186 = arith.index_cast %add3A_183 : i32 to index
        %swap3A_187 = arith.constant 0 : index
        %swap3A_188 = tpu.vector_load %arg7[%swap3A_185, %swap3A_186, %swap3A_187] {strides = array<i32>} : memref<2x32x128xf32, #tpu.memory_space<vmem>>, vector<16xf32>,
        tpu.vector_store %arg7[%swap3A_185, %swap3A_186, %swap3A_187], %gather3A {strides = array<i32>} : memref<2x32x128xf32, #tpu.memory_space<vmem>>, vector<16xf32>,
        %gather3A_189 = tpu.vector_load_idx %arg6[%broadcast_in_dim3A_20, %broadcast_in_dim3A_184, %get3A_5] : memref<2x32x512xf32, #tpu.memory_space<vmem>>[vector<16xi32>, vector<16xi32>, vector<16xi32>], vector<16xf32>,
        %swap3A_190 = arith.constant 1 : i32
        %swap3A_191 = arith.index_cast %swap3A_190 : i32 to index
        %swap3A_192 = arith.index_cast %add3A_183 : i32 to index
        %swap3A_193 = arith.constant 16 : index
        %swap3A_194 = tpu.vector_load %arg7[%swap3A_191, %swap3A_192, %swap3A_193] {strides = array<i32>} : memref<2x32x128xf32, #tpu.memory_space<vmem>>, vector<16xf32>,
        tpu.vector_store %arg7[%swap3A_191, %swap3A_192, %swap3A_193], %gather3A_189 {strides = array<i32>} : memref<2x32x128xf32, #tpu.memory_space<vmem>>, vector<16xf32>,
        %gather3A_195 = tpu.vector_load_idx %arg6[%broadcast_in_dim3A_20, %broadcast_in_dim3A_184, %get3A_7] : memref<2x32x512xf32, #tpu.memory_space<vmem>>[vector<16xi32>, vector<16xi32>, vector<16xi32>], vector<16xf32>,
        %swap3A_196 = arith.constant 1 : i32
        %swap3A_197 = arith.index_cast %swap3A_196 : i32 to index
        %swap3A_198 = arith.index_cast %add3A_183 : i32 to index
        %swap3A_199 = arith.constant 32 : index
        %swap3A_200 = tpu.vector_load %arg7[%swap3A_197, %swap3A_198, %swap3A_199] {strides = array<i32>} : memref<2x32x128xf32, #tpu.memory_space<vmem>>, vector<16xf32>,
        tpu.vector_store %arg7[%swap3A_197, %swap3A_198, %swap3A_199], %gather3A_195 {strides = array<i32>} : memref<2x32x128xf32, #tpu.memory_space<vmem>>, vector<16xf32>,
        %gather3A_201 = tpu.vector_load_idx %arg6[%broadcast_in_dim3A_20, %broadcast_in_dim3A_184, %get3A_9] : memref<2x32x512xf32, #tpu.memory_space<vmem>>[vector<16xi32>, vector<16xi32>, vector<16xi32>], vector<16xf32>,
        %swap3A_202 = arith.constant 1 : i32
        %swap3A_203 = arith.index_cast %swap3A_202 : i32 to index
        %swap3A_204 = arith.index_cast %add3A_183 : i32 to index
        %swap3A_205 = arith.constant 48 : index
        %swap3A_206 = tpu.vector_load %arg7[%swap3A_203, %swap3A_204, %swap3A_205] {strides = array<i32>} : memref<2x32x128xf32, #tpu.memory_space<vmem>>, vector<16xf32>,
        tpu.vector_store %arg7[%swap3A_203, %swap3A_204, %swap3A_205], %gather3A_201 {strides = array<i32>} : memref<2x32x128xf32, #tpu.memory_space<vmem>>, vector<16xf32>,
        %gather3A_207 = tpu.vector_load_idx %arg6[%broadcast_in_dim3A_20, %broadcast_in_dim3A_184, %get3A_11] : memref<2x32x512xf32, #tpu.memory_space<vmem>>[vector<16xi32>, vector<16xi32>, vector<16xi32>], vector<16xf32>,
        %swap3A_208 = arith.constant 1 : i32
        %swap3A_209 = arith.index_cast %swap3A_208 : i32 to index
        %swap3A_210 = arith.index_cast %add3A_183 : i32 to index
        %swap3A_211 = arith.constant 64 : index
        %swap3A_212 = tpu.vector_load %arg7[%swap3A_209, %swap3A_210, %swap3A_211] {strides = array<i32>} : memref<2x32x128xf32, #tpu.memory_space<vmem>>, vector<16xf32>,
        tpu.vector_store %arg7[%swap3A_209, %swap3A_210, %swap3A_211], %gather3A_207 {strides = array<i32>} : memref<2x32x128xf32, #tpu.memory_space<vmem>>, vector<16xf32>,
        %gather3A_213 = tpu.vector_load_idx %arg6[%broadcast_in_dim3A_20, %broadcast_in_dim3A_184, %get3A_13] : memref<2x32x512xf32, #tpu.memory_space<vmem>>[vector<16xi32>, vector<16xi32>, vector<16xi32>], vector<16xf32>,
        %swap3A_214 = arith.constant 1 : i32
        %swap3A_215 = arith.index_cast %swap3A_214 : i32 to index
        %swap3A_216 = arith.index_cast %add3A_183 : i32 to index
        %swap3A_217 = arith.constant 80 : index
        %swap3A_218 = tpu.vector_load %arg7[%swap3A_215, %swap3A_216, %swap3A_217] {strides = array<i32>} : memref<2x32x128xf32, #tpu.memory_space<vmem>>, vector<16xf32>,
        tpu.vector_store %arg7[%swap3A_215, %swap3A_216, %swap3A_217], %gather3A_213 {strides = array<i32>} : memref<2x32x128xf32, #tpu.memory_space<vmem>>, vector<16xf32>,
        %gather3A_219 = tpu.vector_load_idx %arg6[%broadcast_in_dim3A_20, %broadcast_in_dim3A_184, %get3A_15] : memref<2x32x512xf32, #tpu.memory_space<vmem>>[vector<16xi32>, vector<16xi32>, vector<16xi32>], vector<16xf32>,
        %swap3A_220 = arith.constant 1 : i32
        %swap3A_221 = arith.index_cast %swap3A_220 : i32 to index
        %swap3A_222 = arith.index_cast %add3A_183 : i32 to index
        %swap3A_223 = arith.constant 96 : index
        %swap3A_224 = tpu.vector_load %arg7[%swap3A_221, %swap3A_222, %swap3A_223] {strides = array<i32>} : memref<2x32x128xf32, #tpu.memory_space<vmem>>, vector<16xf32>,
        tpu.vector_store %arg7[%swap3A_221, %swap3A_222, %swap3A_223], %gather3A_219 {strides = array<i32>} : memref<2x32x128xf32, #tpu.memory_space<vmem>>, vector<16xf32>,
        %gather3A_225 = tpu.vector_load_idx %arg6[%broadcast_in_dim3A_20, %broadcast_in_dim3A_184, %get3A_17] : memref<2x32x512xf32, #tpu.memory_space<vmem>>[vector<16xi32>, vector<16xi32>, vector<16xi32>], vector<16xf32>,
        %swap3A_226 = arith.constant 1 : i32
        %swap3A_227 = arith.index_cast %swap3A_226 : i32 to index
        %swap3A_228 = arith.index_cast %add3A_183 : i32 to index
        %swap3A_229 = arith.constant 112 : index
        %swap3A_230 = tpu.vector_load %arg7[%swap3A_227, %swap3A_228, %swap3A_229] {strides = array<i32>} : memref<2x32x128xf32, #tpu.memory_space<vmem>>, vector<16xf32>,
        tpu.vector_store %arg7[%swap3A_227, %swap3A_228, %swap3A_229], %gather3A_225 {strides = array<i32>} : memref<2x32x128xf32, #tpu.memory_space<vmem>>, vector<16xf32>,
        %mul3A_231 = arith.constant 4 : i32
        %mul3A_232 = arith.muli %scan3A_179, %mul3A_231 : i32
        %add3A_233 = arith.constant 1 : i32
        %add3A_234 = arith.addi %mul3A_232, %add3A_233 : i32
        %broadcast_in_dim3A_235 = vector.broadcast %add3A_234 : i32 to vector<16xi32>
        %gather3A_236 = tpu.vector_load_idx %arg6[%broadcast_in_dim3A_20, %broadcast_in_dim3A_235, %get3A_3] : memref<2x32x512xf32, #tpu.memory_space<vmem>>[vector<16xi32>, vector<16xi32>, vector<16xi32>], vector<16xf32>,
        %swap3A_237 = arith.constant 1 : i32
        %swap3A_238 = arith.index_cast %swap3A_237 : i32 to index
        %swap3A_239 = arith.index_cast %add3A_234 : i32 to index
        %swap3A_240 = arith.constant 0 : index
        %swap3A_241 = tpu.vector_load %arg7[%swap3A_238, %swap3A_239, %swap3A_240] {strides = array<i32>} : memref<2x32x128xf32, #tpu.memory_space<vmem>>, vector<16xf32>,
        tpu.vector_store %arg7[%swap3A_238, %swap3A_239, %swap3A_240], %gather3A_236 {strides = array<i32>} : memref<2x32x128xf32, #tpu.memory_space<vmem>>, vector<16xf32>,
        %gather3A_242 = tpu.vector_load_idx %arg6[%broadcast_in_dim3A_20, %broadcast_in_dim3A_235, %get3A_5] : memref<2x32x512xf32, #tpu.memory_space<vmem>>[vector<16xi32>, vector<16xi32>, vector<16xi32>], vector<16xf32>,
        %swap3A_243 = arith.constant 1 : i32
        %swap3A_244 = arith.index_cast %swap3A_243 : i32 to index
        %swap3A_245 = arith.index_cast %add3A_234 : i32 to index
        %swap3A_246 = arith.constant 16 : index
        %swap3A_247 = tpu.vector_load %arg7[%swap3A_244, %swap3A_245, %swap3A_246] {strides = array<i32>} : memref<2x32x128xf32, #tpu.memory_space<vmem>>, vector<16xf32>,
        tpu.vector_store %arg7[%swap3A_244, %swap3A_245, %swap3A_246], %gather3A_242 {strides = array<i32>} : memref<2x32x128xf32, #tpu.memory_space<vmem>>, vector<16xf32>,
        %gather3A_248 = tpu.vector_load_idx %arg6[%broadcast_in_dim3A_20, %broadcast_in_dim3A_235, %get3A_7] : memref<2x32x512xf32, #tpu.memory_space<vmem>>[vector<16xi32>, vector<16xi32>, vector<16xi32>], vector<16xf32>,
        %swap3A_249 = arith.constant 1 : i32
        %swap3A_250 = arith.index_cast %swap3A_249 : i32 to index
        %swap3A_251 = arith.index_cast %add3A_234 : i32 to index
        %swap3A_252 = arith.constant 32 : index
        %swap3A_253 = tpu.vector_load %arg7[%swap3A_250, %swap3A_251, %swap3A_252] {strides = array<i32>} : memref<2x32x128xf32, #tpu.memory_space<vmem>>, vector<16xf32>,
        tpu.vector_store %arg7[%swap3A_250, %swap3A_251, %swap3A_252], %gather3A_248 {strides = array<i32>} : memref<2x32x128xf32, #tpu.memory_space<vmem>>, vector<16xf32>,
        %gather3A_254 = tpu.vector_load_idx %arg6[%broadcast_in_dim3A_20, %broadcast_in_dim3A_235, %get3A_9] : memref<2x32x512xf32, #tpu.memory_space<vmem>>[vector<16xi32>, vector<16xi32>, vector<16xi32>], vector<16xf32>,
        %swap3A_255 = arith.constant 1 : i32
        %swap3A_256 = arith.index_cast %swap3A_255 : i32 to index
        %swap3A_257 = arith.index_cast %add3A_234 : i32 to index
        %swap3A_258 = arith.constant 48 : index
        %swap3A_259 = tpu.vector_load %arg7[%swap3A_256, %swap3A_257, %swap3A_258] {strides = array<i32>} : memref<2x32x128xf32, #tpu.memory_space<vmem>>, vector<16xf32>,
        tpu.vector_store %arg7[%swap3A_256, %swap3A_257, %swap3A_258], %gather3A_254 {strides = array<i32>} : memref<2x32x128xf32, #tpu.memory_space<vmem>>, vector<16xf32>,
        %gather3A_260 = tpu.vector_load_idx %arg6[%broadcast_in_dim3A_20, %broadcast_in_dim3A_235, %get3A_11] : memref<2x32x512xf32, #tpu.memory_space<vmem>>[vector<16xi32>, vector<16xi32>, vector<16xi32>], vector<16xf32>,
        %swap3A_261 = arith.constant 1 : i32
        %swap3A_262 = arith.index_cast %swap3A_261 : i32 to index
        %swap3A_263 = arith.index_cast %add3A_234 : i32 to index
        %swap3A_264 = arith.constant 64 : index
        %swap3A_265 = tpu.vector_load %arg7[%swap3A_262, %swap3A_263, %swap3A_264] {strides = array<i32>} : memref<2x32x128xf32, #tpu.memory_space<vmem>>, vector<16xf32>,
        tpu.vector_store %arg7[%swap3A_262, %swap3A_263, %swap3A_264], %gather3A_260 {strides = array<i32>} : memref<2x32x128xf32, #tpu.memory_space<vmem>>, vector<16xf32>,
        %gather3A_266 = tpu.vector_load_idx %arg6[%broadcast_in_dim3A_20, %broadcast_in_dim3A_235, %get3A_13] : memref<2x32x512xf32, #tpu.memory_space<vmem>>[vector<16xi32>, vector<16xi32>, vector<16xi32>], vector<16xf32>,
        %swap3A_267 = arith.constant 1 : i32
        %swap3A_268 = arith.index_cast %swap3A_267 : i32 to index
        %swap3A_269 = arith.index_cast %add3A_234 : i32 to index
        %swap3A_270 = arith.constant 80 : index
        %swap3A_271 = tpu.vector_load %arg7[%swap3A_268, %swap3A_269, %swap3A_270] {strides = array<i32>} : memref<2x32x128xf32, #tpu.memory_space<vmem>>, vector<16xf32>,
        tpu.vector_store %arg7[%swap3A_268, %swap3A_269, %swap3A_270], %gather3A_266 {strides = array<i32>} : memref<2x32x128xf32, #tpu.memory_space<vmem>>, vector<16xf32>,
        %gather3A_272 = tpu.vector_load_idx %arg6[%broadcast_in_dim3A_20, %broadcast_in_dim3A_235, %get3A_15] : memref<2x32x512xf32, #tpu.memory_space<vmem>>[vector<16xi32>, vector<16xi32>, vector<16xi32>], vector<16xf32>,
        %swap3A_273 = arith.constant 1 : i32
        %swap3A_274 = arith.index_cast %swap3A_273 : i32 to index
        %swap3A_275 = arith.index_cast %add3A_234 : i32 to index
        %swap3A_276 = arith.constant 96 : index
        %swap3A_277 = tpu.vector_load %arg7[%swap3A_274, %swap3A_275, %swap3A_276] {strides = array<i32>} : memref<2x32x128xf32, #tpu.memory_space<vmem>>, vector<16xf32>,
        tpu.vector_store %arg7[%swap3A_274, %swap3A_275, %swap3A_276], %gather3A_272 {strides = array<i32>} : memref<2x32x128xf32, #tpu.memory_space<vmem>>, vector<16xf32>,
        %gather3A_278 = tpu.vector_load_idx %arg6[%broadcast_in_dim3A_20, %broadcast_in_dim3A_235, %get3A_17] : memref<2x32x512xf32, #tpu.memory_space<vmem>>[vector<16xi32>, vector<16xi32>, vector<16xi32>], vector<16xf32>,
        %swap3A_279 = arith.constant 1 : i32
        %swap3A_280 = arith.index_cast %swap3A_279 : i32 to index
        %swap3A_281 = arith.index_cast %add3A_234 : i32 to index
        %swap3A_282 = arith.constant 112 : index
        %swap3A_283 = tpu.vector_load %arg7[%swap3A_280, %swap3A_281, %swap3A_282] {strides = array<i32>} : memref<2x32x128xf32, #tpu.memory_space<vmem>>, vector<16xf32>,
        tpu.vector_store %arg7[%swap3A_280, %swap3A_281, %swap3A_282], %gather3A_278 {strides = array<i32>} : memref<2x32x128xf32, #tpu.memory_space<vmem>>, vector<16xf32>,
        %mul3A_284 = arith.constant 4 : i32
        %mul3A_285 = arith.muli %scan3A_179, %mul3A_284 : i32
        %add3A_286 = arith.constant 2 : i32
        %add3A_287 = arith.addi %mul3A_285, %add3A_286 : i32
        %broadcast_in_dim3A_288 = vector.broadcast %add3A_287 : i32 to vector<16xi32>
        %gather3A_289 = tpu.vector_load_idx %arg6[%broadcast_in_dim3A_20, %broadcast_in_dim3A_288, %get3A_3] : memref<2x32x512xf32, #tpu.memory_space<vmem>>[vector<16xi32>, vector<16xi32>, vector<16xi32>], vector<16xf32>,
        %swap3A_290 = arith.constant 1 : i32
        %swap3A_291 = arith.index_cast %swap3A_290 : i32 to index
        %swap3A_292 = arith.index_cast %add3A_287 : i32 to index
        %swap3A_293 = arith.constant 0 : index
        %swap3A_294 = tpu.vector_load %arg7[%swap3A_291, %swap3A_292, %swap3A_293] {strides = array<i32>} : memref<2x32x128xf32, #tpu.memory_space<vmem>>, vector<16xf32>,
        tpu.vector_store %arg7[%swap3A_291, %swap3A_292, %swap3A_293], %gather3A_289 {strides = array<i32>} : memref<2x32x128xf32, #tpu.memory_space<vmem>>, vector<16xf32>,
        %gather3A_295 = tpu.vector_load_idx %arg6[%broadcast_in_dim3A_20, %broadcast_in_dim3A_288, %get3A_5] : memref<2x32x512xf32, #tpu.memory_space<vmem>>[vector<16xi32>, vector<16xi32>, vector<16xi32>], vector<16xf32>,
        %swap3A_296 = arith.constant 1 : i32
        %swap3A_297 = arith.index_cast %swap3A_296 : i32 to index
        %swap3A_298 = arith.index_cast %add3A_287 : i32 to index
        %swap3A_299 = arith.constant 16 : index
        %swap3A_300 = tpu.vector_load %arg7[%swap3A_297, %swap3A_298, %swap3A_299] {strides = array<i32>} : memref<2x32x128xf32, #tpu.memory_space<vmem>>, vector<16xf32>,
        tpu.vector_store %arg7[%swap3A_297, %swap3A_298, %swap3A_299], %gather3A_295 {strides = array<i32>} : memref<2x32x128xf32, #tpu.memory_space<vmem>>, vector<16xf32>,
        %gather3A_301 = tpu.vector_load_idx %arg6[%broadcast_in_dim3A_20, %broadcast_in_dim3A_288, %get3A_7] : memref<2x32x512xf32, #tpu.memory_space<vmem>>[vector<16xi32>, vector<16xi32>, vector<16xi32>], vector<16xf32>,
        %swap3A_302 = arith.constant 1 : i32
        %swap3A_303 = arith.index_cast %swap3A_302 : i32 to index
        %swap3A_304 = arith.index_cast %add3A_287 : i32 to index
        %swap3A_305 = arith.constant 32 : index
        %swap3A_306 = tpu.vector_load %arg7[%swap3A_303, %swap3A_304, %swap3A_305] {strides = array<i32>} : memref<2x32x128xf32, #tpu.memory_space<vmem>>, vector<16xf32>,
        tpu.vector_store %arg7[%swap3A_303, %swap3A_304, %swap3A_305], %gather3A_301 {strides = array<i32>} : memref<2x32x128xf32, #tpu.memory_space<vmem>>, vector<16xf32>,
        %gather3A_307 = tpu.vector_load_idx %arg6[%broadcast_in_dim3A_20, %broadcast_in_dim3A_288, %get3A_9] : memref<2x32x512xf32, #tpu.memory_space<vmem>>[vector<16xi32>, vector<16xi32>, vector<16xi32>], vector<16xf32>,
        %swap3A_308 = arith.constant 1 : i32
        %swap3A_309 = arith.index_cast %swap3A_308 : i32 to index
        %swap3A_310 = arith.index_cast %add3A_287 : i32 to index
        %swap3A_311 = arith.constant 48 : index
        %swap3A_312 = tpu.vector_load %arg7[%swap3A_309, %swap3A_310, %swap3A_311] {strides = array<i32>} : memref<2x32x128xf32, #tpu.memory_space<vmem>>, vector<16xf32>,
        tpu.vector_store %arg7[%swap3A_309, %swap3A_310, %swap3A_311], %gather3A_307 {strides = array<i32>} : memref<2x32x128xf32, #tpu.memory_space<vmem>>, vector<16xf32>,
        %gather3A_313 = tpu.vector_load_idx %arg6[%broadcast_in_dim3A_20, %broadcast_in_dim3A_288, %get3A_11] : memref<2x32x512xf32, #tpu.memory_space<vmem>>[vector<16xi32>, vector<16xi32>, vector<16xi32>], vector<16xf32>,
        %swap3A_314 = arith.constant 1 : i32
        %swap3A_315 = arith.index_cast %swap3A_314 : i32 to index
        %swap3A_316 = arith.index_cast %add3A_287 : i32 to index
        %swap3A_317 = arith.constant 64 : index
        %swap3A_318 = tpu.vector_load %arg7[%swap3A_315, %swap3A_316, %swap3A_317] {strides = array<i32>} : memref<2x32x128xf32, #tpu.memory_space<vmem>>, vector<16xf32>,
        tpu.vector_store %arg7[%swap3A_315, %swap3A_316, %swap3A_317], %gather3A_313 {strides = array<i32>} : memref<2x32x128xf32, #tpu.memory_space<vmem>>, vector<16xf32>,
        %gather3A_319 = tpu.vector_load_idx %arg6[%broadcast_in_dim3A_20, %broadcast_in_dim3A_288, %get3A_13] : memref<2x32x512xf32, #tpu.memory_space<vmem>>[vector<16xi32>, vector<16xi32>, vector<16xi32>], vector<16xf32>,
        %swap3A_320 = arith.constant 1 : i32
        %swap3A_321 = arith.index_cast %swap3A_320 : i32 to index
        %swap3A_322 = arith.index_cast %add3A_287 : i32 to index
        %swap3A_323 = arith.constant 80 : index
        %swap3A_324 = tpu.vector_load %arg7[%swap3A_321, %swap3A_322, %swap3A_323] {strides = array<i32>} : memref<2x32x128xf32, #tpu.memory_space<vmem>>, vector<16xf32>,
        tpu.vector_store %arg7[%swap3A_321, %swap3A_322, %swap3A_323], %gather3A_319 {strides = array<i32>} : memref<2x32x128xf32, #tpu.memory_space<vmem>>, vector<16xf32>,
        %gather3A_325 = tpu.vector_load_idx %arg6[%broadcast_in_dim3A_20, %broadcast_in_dim3A_288, %get3A_15] : memref<2x32x512xf32, #tpu.memory_space<vmem>>[vector<16xi32>, vector<16xi32>, vector<16xi32>], vector<16xf32>,
        %swap3A_326 = arith.constant 1 : i32
        %swap3A_327 = arith.index_cast %swap3A_326 : i32 to index
        %swap3A_328 = arith.index_cast %add3A_287 : i32 to index
        %swap3A_329 = arith.constant 96 : index
        %swap3A_330 = tpu.vector_load %arg7[%swap3A_327, %swap3A_328, %swap3A_329] {strides = array<i32>} : memref<2x32x128xf32, #tpu.memory_space<vmem>>, vector<16xf32>,
        tpu.vector_store %arg7[%swap3A_327, %swap3A_328, %swap3A_329], %gather3A_325 {strides = array<i32>} : memref<2x32x128xf32, #tpu.memory_space<vmem>>, vector<16xf32>,
        %gather3A_331 = tpu.vector_load_idx %arg6[%broadcast_in_dim3A_20, %broadcast_in_dim3A_288, %get3A_17] : memref<2x32x512xf32, #tpu.memory_space<vmem>>[vector<16xi32>, vector<16xi32>, vector<16xi32>], vector<16xf32>,
        %swap3A_332 = arith.constant 1 : i32
        %swap3A_333 = arith.index_cast %swap3A_332 : i32 to index
        %swap3A_334 = arith.index_cast %add3A_287 : i32 to index
        %swap3A_335 = arith.constant 112 : index
        %swap3A_336 = tpu.vector_load %arg7[%swap3A_333, %swap3A_334, %swap3A_335] {strides = array<i32>} : memref<2x32x128xf32, #tpu.memory_space<vmem>>, vector<16xf32>,
        tpu.vector_store %arg7[%swap3A_333, %swap3A_334, %swap3A_335], %gather3A_331 {strides = array<i32>} : memref<2x32x128xf32, #tpu.memory_space<vmem>>, vector<16xf32>,
        %mul3A_337 = arith.constant 4 : i32
        %mul3A_338 = arith.muli %scan3A_179, %mul3A_337 : i32
        %add3A_339 = arith.constant 3 : i32
        %add3A_340 = arith.addi %mul3A_338, %add3A_339 : i32
        %broadcast_in_dim3A_341 = vector.broadcast %add3A_340 : i32 to vector<16xi32>
        %gather3A_342 = tpu.vector_load_idx %arg6[%broadcast_in_dim3A_20, %broadcast_in_dim3A_341, %get3A_3] : memref<2x32x512xf32, #tpu.memory_space<vmem>>[vector<16xi32>, vector<16xi32>, vector<16xi32>], vector<16xf32>,
        %swap3A_343 = arith.constant 1 : i32
        %swap3A_344 = arith.index_cast %swap3A_343 : i32 to index
        %swap3A_345 = arith.index_cast %add3A_340 : i32 to index
        %swap3A_346 = arith.constant 0 : index
        %swap3A_347 = tpu.vector_load %arg7[%swap3A_344, %swap3A_345, %swap3A_346] {strides = array<i32>} : memref<2x32x128xf32, #tpu.memory_space<vmem>>, vector<16xf32>,
        tpu.vector_store %arg7[%swap3A_344, %swap3A_345, %swap3A_346], %gather3A_342 {strides = array<i32>} : memref<2x32x128xf32, #tpu.memory_space<vmem>>, vector<16xf32>,
        %gather3A_348 = tpu.vector_load_idx %arg6[%broadcast_in_dim3A_20, %broadcast_in_dim3A_341, %get3A_5] : memref<2x32x512xf32, #tpu.memory_space<vmem>>[vector<16xi32>, vector<16xi32>, vector<16xi32>], vector<16xf32>,
        %swap3A_349 = arith.constant 1 : i32
        %swap3A_350 = arith.index_cast %swap3A_349 : i32 to index
        %swap3A_351 = arith.index_cast %add3A_340 : i32 to index
        %swap3A_352 = arith.constant 16 : index
        %swap3A_353 = tpu.vector_load %arg7[%swap3A_350, %swap3A_351, %swap3A_352] {strides = array<i32>} : memref<2x32x128xf32, #tpu.memory_space<vmem>>, vector<16xf32>,
        tpu.vector_store %arg7[%swap3A_350, %swap3A_351, %swap3A_352], %gather3A_348 {strides = array<i32>} : memref<2x32x128xf32, #tpu.memory_space<vmem>>, vector<16xf32>,
        %gather3A_354 = tpu.vector_load_idx %arg6[%broadcast_in_dim3A_20, %broadcast_in_dim3A_341, %get3A_7] : memref<2x32x512xf32, #tpu.memory_space<vmem>>[vector<16xi32>, vector<16xi32>, vector<16xi32>], vector<16xf32>,
        %swap3A_355 = arith.constant 1 : i32
        %swap3A_356 = arith.index_cast %swap3A_355 : i32 to index
        %swap3A_357 = arith.index_cast %add3A_340 : i32 to index
        %swap3A_358 = arith.constant 32 : index
        %swap3A_359 = tpu.vector_load %arg7[%swap3A_356, %swap3A_357, %swap3A_358] {strides = array<i32>} : memref<2x32x128xf32, #tpu.memory_space<vmem>>, vector<16xf32>,
        tpu.vector_store %arg7[%swap3A_356, %swap3A_357, %swap3A_358], %gather3A_354 {strides = array<i32>} : memref<2x32x128xf32, #tpu.memory_space<vmem>>, vector<16xf32>,
        %gather3A_360 = tpu.vector_load_idx %arg6[%broadcast_in_dim3A_20, %broadcast_in_dim3A_341, %get3A_9] : memref<2x32x512xf32, #tpu.memory_space<vmem>>[vector<16xi32>, vector<16xi32>, vector<16xi32>], vector<16xf32>,
        %swap3A_361 = arith.constant 1 : i32
        %swap3A_362 = arith.index_cast %swap3A_361 : i32 to index
        %swap3A_363 = arith.index_cast %add3A_340 : i32 to index
        %swap3A_364 = arith.constant 48 : index
        %swap3A_365 = tpu.vector_load %arg7[%swap3A_362, %swap3A_363, %swap3A_364] {strides = array<i32>} : memref<2x32x128xf32, #tpu.memory_space<vmem>>, vector<16xf32>,
        tpu.vector_store %arg7[%swap3A_362, %swap3A_363, %swap3A_364], %gather3A_360 {strides = array<i32>} : memref<2x32x128xf32, #tpu.memory_space<vmem>>, vector<16xf32>,
        %gather3A_366 = tpu.vector_load_idx %arg6[%broadcast_in_dim3A_20, %broadcast_in_dim3A_341, %get3A_11] : memref<2x32x512xf32, #tpu.memory_space<vmem>>[vector<16xi32>, vector<16xi32>, vector<16xi32>], vector<16xf32>,
        %swap3A_367 = arith.constant 1 : i32
        %swap3A_368 = arith.index_cast %swap3A_367 : i32 to index
        %swap3A_369 = arith.index_cast %add3A_340 : i32 to index
        %swap3A_370 = arith.constant 64 : index
        %swap3A_371 = tpu.vector_load %arg7[%swap3A_368, %swap3A_369, %swap3A_370] {strides = array<i32>} : memref<2x32x128xf32, #tpu.memory_space<vmem>>, vector<16xf32>,
        tpu.vector_store %arg7[%swap3A_368, %swap3A_369, %swap3A_370], %gather3A_366 {strides = array<i32>} : memref<2x32x128xf32, #tpu.memory_space<vmem>>, vector<16xf32>,
        %gather3A_372 = tpu.vector_load_idx %arg6[%broadcast_in_dim3A_20, %broadcast_in_dim3A_341, %get3A_13] : memref<2x32x512xf32, #tpu.memory_space<vmem>>[vector<16xi32>, vector<16xi32>, vector<16xi32>], vector<16xf32>,
        %swap3A_373 = arith.constant 1 : i32
        %swap3A_374 = arith.index_cast %swap3A_373 : i32 to index
        %swap3A_375 = arith.index_cast %add3A_340 : i32 to index
        %swap3A_376 = arith.constant 80 : index
        %swap3A_377 = tpu.vector_load %arg7[%swap3A_374, %swap3A_375, %swap3A_376] {strides = array<i32>} : memref<2x32x128xf32, #tpu.memory_space<vmem>>, vector<16xf32>,
        tpu.vector_store %arg7[%swap3A_374, %swap3A_375, %swap3A_376], %gather3A_372 {strides = array<i32>} : memref<2x32x128xf32, #tpu.memory_space<vmem>>, vector<16xf32>,
        %gather3A_378 = tpu.vector_load_idx %arg6[%broadcast_in_dim3A_20, %broadcast_in_dim3A_341, %get3A_15] : memref<2x32x512xf32, #tpu.memory_space<vmem>>[vector<16xi32>, vector<16xi32>, vector<16xi32>], vector<16xf32>,
        %swap3A_379 = arith.constant 1 : i32
        %swap3A_380 = arith.index_cast %swap3A_379 : i32 to index
        %swap3A_381 = arith.index_cast %add3A_340 : i32 to index
        %swap3A_382 = arith.constant 96 : index
        %swap3A_383 = tpu.vector_load %arg7[%swap3A_380, %swap3A_381, %swap3A_382] {strides = array<i32>} : memref<2x32x128xf32, #tpu.memory_space<vmem>>, vector<16xf32>,
        tpu.vector_store %arg7[%swap3A_380, %swap3A_381, %swap3A_382], %gather3A_378 {strides = array<i32>} : memref<2x32x128xf32, #tpu.memory_space<vmem>>, vector<16xf32>,
        %gather3A_384 = tpu.vector_load_idx %arg6[%broadcast_in_dim3A_20, %broadcast_in_dim3A_341, %get3A_17] : memref<2x32x512xf32, #tpu.memory_space<vmem>>[vector<16xi32>, vector<16xi32>, vector<16xi32>], vector<16xf32>,
        %swap3A_385 = arith.constant 1 : i32
        %swap3A_386 = arith.index_cast %swap3A_385 : i32 to index
        %swap3A_387 = arith.index_cast %add3A_340 : i32 to index
        %swap3A_388 = arith.constant 112 : index
        %swap3A_389 = tpu.vector_load %arg7[%swap3A_386, %swap3A_387, %swap3A_388] {strides = array<i32>} : memref<2x32x128xf32, #tpu.memory_space<vmem>>, vector<16xf32>,
        tpu.vector_store %arg7[%swap3A_386, %swap3A_387, %swap3A_388], %gather3A_384 {strides = array<i32>} : memref<2x32x128xf32, #tpu.memory_space<vmem>>, vector<16xf32>,
      }
      %scan3A_160 = arith.constant 8 : i32
      %dma_start3A_161 = arith.constant 1 : i32
      %dma_start3A_162 = arith.constant 0 : i32
      %dma_start3A_163 = arith.constant 0 : i32
      %dma_start3A_164 = tpu.memref_slice %arg7[%dma_start3A_161, %dma_start3A_162, %dma_start3A_163] : memref<2x32x128xf32, #tpu.memory_space<vmem>> -> memref<1x32x128xf32, #tpu.memory_space<vmem>>
      %dma_start3A_165 = tpu.memref_squeeze %dma_start3A_164 : memref<1x32x128xf32, #tpu.memory_space<vmem>> -> memref<32x128xf32, #tpu.memory_space<vmem>>
      %dma_start3A_166 = arith.constant 0 : i32
      %dma_start3A_167 = tpu.memref_slice %arg4[%add3A_136, %dma_start3A_166] : memref<6144x128xf32, #tpu.memory_space<hbm>> -> memref<32x128xf32, #tpu.memory_space<hbm>>
      %dma_start3A_168 = arith.constant 0 : i32
      %dma_start3A_169 = tpu.memref_slice %arg4[%add3A_136, %dma_start3A_168] : memref<6144x128xf32, #tpu.memory_space<hbm>> -> memref<32x128xf32, #tpu.memory_space<hbm>>
      %dma_start3A_170 = arith.constant 0 : i32
      %dma_start3A_171 = arith.constant 0 : i32
      %dma_start3A_172 = tpu.memref_slice %arg7[%dma_start3A_161, %dma_start3A_170, %dma_start3A_171] : memref<2x32x128xf32, #tpu.memory_space<vmem>> -> memref<1x32x128xf32, #tpu.memory_space<vmem>>
      %dma_start3A_173 = tpu.memref_squeeze %dma_start3A_172 : memref<1x32x128xf32, #tpu.memory_space<vmem>> -> memref<32x128xf32, #tpu.memory_space<vmem>>
      tpu.enqueue_dma source(%dma_start3A_173 : memref<32x128xf32, #tpu.memory_space<vmem>>) target(%dma_start3A_169 : memref<32x128xf32, #tpu.memory_space<hbm>>) target_semaphore(%arg11 : memref<!tpu.dma_semaphore, #tpu.memory_space<semaphore_mem>>)
      %lt3A_174 = arith.constant 2 : i32
      %lt3A_175 = arith.cmpi slt, %scan3A_84, %lt3A_174 : i32
      %convert_element_type3A_176 = arith.extui %lt3A_175 : i1 to i32
      %cond3A_177 = arith.constant 0 : i32
      %cond3A_178 = arith.cmpi ne, %convert_element_type3A_176, %cond3A_177 : i32
      scf.if %cond3A_178 {
        %add3A_179 = arith.constant 64 : i32
        %add3A_180 = arith.addi %add3A_136, %add3A_179 : i32
        %dma_start3A_181 = arith.constant 1 : i32
        %dma_start3A_182 = arith.constant 0 : i32
        %dma_start3A_183 = arith.constant 0 : i32
        %dma_start3A_184 = tpu.memref_slice %arg6[%dma_start3A_181, %dma_start3A_182, %dma_start3A_183] : memref<2x32x512xf32, #tpu.memory_space<vmem>> -> memref<1x32x512xf32, #tpu.memory_space<vmem>>
        %dma_start3A_185 = tpu.memref_squeeze %dma_start3A_184 : memref<1x32x512xf32, #tpu.memory_space<vmem>> -> memref<32x512xf32, #tpu.memory_space<vmem>>
        %dma_start3A_186 = arith.constant 0 : i32
        %dma_start3A_187 = tpu.memref_slice %arg2[%add3A_180, %dma_start3A_186] : memref<16384x512xf32, #tpu.memory_space<hbm>> -> memref<32x512xf32, #tpu.memory_space<hbm>>
        %dma_start3A_188 = arith.constant 0 : i32
        %dma_start3A_189 = arith.constant 0 : i32
        %dma_start3A_190 = tpu.memref_slice %arg6[%dma_start3A_181, %dma_start3A_188, %dma_start3A_189] : memref<2x32x512xf32, #tpu.memory_space<vmem>> -> memref<1x32x512xf32, #tpu.memory_space<vmem>>
        %dma_start3A_191 = tpu.memref_squeeze %dma_start3A_190 : memref<1x32x512xf32, #tpu.memory_space<vmem>> -> memref<32x512xf32, #tpu.memory_space<vmem>>
        %dma_start3A_192 = arith.constant 0 : i32
        %dma_start3A_193 = tpu.memref_slice %arg2[%add3A_180, %dma_start3A_192] : memref<16384x512xf32, #tpu.memory_space<hbm>> -> memref<32x512xf32, #tpu.memory_space<hbm>>
        tpu.enqueue_dma source(%dma_start3A_193 : memref<32x512xf32, #tpu.memory_space<hbm>>) target(%dma_start3A_191 : memref<32x512xf32, #tpu.memory_space<vmem>>) target_semaphore(%arg9 : memref<!tpu.dma_semaphore, #tpu.memory_space<semaphore_mem>>)
      } else {
      }
    }
    %scan3A_54 = arith.constant 3 : i32
    %add3A_55 = arith.constant 128 : i32
    %add3A_56 = arith.addi %mul3A_2, %add3A_55 : i32
    %dma_wait3A = arith.constant 0 : i32
    %dma_wait3A_57 = arith.constant 0 : i32
    %dma_wait3A_58 = arith.constant 0 : i32
    %dma_wait3A_59 = tpu.memref_slice %arg7[%dma_wait3A, %dma_wait3A_57, %dma_wait3A_58] : memref<2x32x128xf32, #tpu.memory_space<vmem>> -> memref<1x32x128xf32, #tpu.memory_space<vmem>>
    %dma_wait3A_60 = tpu.memref_squeeze %dma_wait3A_59 : memref<1x32x128xf32, #tpu.memory_space<vmem>> -> memref<32x128xf32, #tpu.memory_space<vmem>>
    %dma_wait3A_61 = arith.constant 0 : i32
    %dma_wait3A_62 = tpu.memref_slice %arg4[%add3A_56, %dma_wait3A_61] : memref<6144x128xf32, #tpu.memory_space<hbm>> -> memref<32x128xf32, #tpu.memory_space<hbm>>
    %dma_wait3A_63 = arith.constant 0 : i32
    %dma_wait3A_64 = tpu.memref_slice %arg4[%add3A_56, %dma_wait3A_63] : memref<6144x128xf32, #tpu.memory_space<hbm>> -> memref<32x128xf32, #tpu.memory_space<hbm>>
    %dma_wait3A_65 = arith.constant 0 : i32
    %dma_wait3A_66 = arith.constant 0 : i32
    %dma_wait3A_67 = tpu.memref_slice %arg7[%dma_wait3A, %dma_wait3A_65, %dma_wait3A_66] : memref<2x32x128xf32, #tpu.memory_space<vmem>> -> memref<1x32x128xf32, #tpu.memory_space<vmem>>
    %dma_wait3A_68 = tpu.memref_squeeze %dma_wait3A_67 : memref<1x32x128xf32, #tpu.memory_space<vmem>> -> memref<32x128xf32, #tpu.memory_space<vmem>>
    tpu.wait_dma2 semaphore(%arg10 : memref<!tpu.dma_semaphore, #tpu.memory_space<semaphore_mem>>) src(%dma_wait3A_68 : memref<32x128xf32, #tpu.memory_space<vmem>>) dst(%dma_wait3A_64 : memref<32x128xf32, #tpu.memory_space<hbm>>)
    %add3A_69 = arith.constant 160 : i32
    %add3A_70 = arith.addi %mul3A_2, %add3A_69 : i32
    %dma_wait3A_71 = arith.constant 1 : i32
    %dma_wait3A_72 = arith.constant 0 : i32
    %dma_wait3A_73 = arith.constant 0 : i32
    %dma_wait3A_74 = tpu.memref_slice %arg7[%dma_wait3A_71, %dma_wait3A_72, %dma_wait3A_73] : memref<2x32x128xf32, #tpu.memory_space<vmem>> -> memref<1x32x128xf32, #tpu.memory_space<vmem>>
    %dma_wait3A_75 = tpu.memref_squeeze %dma_wait3A_74 : memref<1x32x128xf32, #tpu.memory_space<vmem>> -> memref<32x128xf32, #tpu.memory_space<vmem>>
    %dma_wait3A_76 = arith.constant 0 : i32
    %dma_wait3A_77 = tpu.memref_slice %arg4[%add3A_70, %dma_wait3A_76] : memref<6144x128xf32, #tpu.memory_space<hbm>> -> memref<32x128xf32, #tpu.memory_space<hbm>>
    %dma_wait3A_78 = arith.constant 0 : i32
    %dma_wait3A_79 = tpu.memref_slice %arg4[%add3A_70, %dma_wait3A_78] : memref<6144x128xf32, #tpu.memory_space<hbm>> -> memref<32x128xf32, #tpu.memory_space<hbm>>
    %dma_wait3A_80 = arith.constant 0 : i32
    %dma_wait3A_81 = arith.constant 0 : i32
    %dma_wait3A_82 = tpu.memref_slice %arg7[%dma_wait3A_71, %dma_wait3A_80, %dma_wait3A_81] : memref<2x32x128xf32, #tpu.memory_space<vmem>> -> memref<1x32x128xf32, #tpu.memory_space<vmem>>
    %dma_wait3A_83 = tpu.memref_squeeze %dma_wait3A_82 : memref<1x32x128xf32, #tpu.memory_space<vmem>> -> memref<32x128xf32, #tpu.memory_space<vmem>>
    tpu.wait_dma2 semaphore(%arg11 : memref<!tpu.dma_semaphore, #tpu.memory_space<semaphore_mem>>) src(%dma_wait3A_83 : memref<32x128xf32, #tpu.memory_space<vmem>>) dst(%dma_wait3A_79 : memref<32x128xf32, #tpu.memory_space<hbm>>)
    return
  }
}

module attributes {stable_mosaic.version = 14 : i64} {
  func.func @_tc_body(%arg0: i32, %arg1: memref<1x128xi32, #tpu.memory_space<vmem>>, %arg2: memref<1024x512xf32, #tpu.memory_space<vmem>>, %arg3: memref<1024x128xf32, #tpu.memory_space<vmem>>) attributes {dimension_semantics = [#tpu.dimension_semantics<arbitrary>], iteration_bounds = array<i64: 10>, scalar_prefetch = 0 : i64, scratch_operands = 0 : i64, tpu.core_type = #tpu.core_type<tc>, window_params = [{pipeline_mode = #tpu.pipeline_mode<synchronous>, transform_indices = @transform_0, window_bounds = array<i64: 1, 128>}, {transform_indices = @transform_1, window_bounds = array<i64: 1024, 512>}, {transform_indices = @transform_2, window_bounds = array<i64: 1024, 128>}]} {
    %iota3A = tpu.iota {dimensions = array<i32: 0>} : vector<512x128xi32>
    %get3A = arith.constant 0 : index
    %get3A_0 = arith.constant 0 : index
    %get3A_1 = vector.load %arg1[%get3A, %get3A_0] : memref<1x128xi32, #tpu.memory_space<vmem>>, vector<1x128xi32>
    %get3A_2 = vector.shape_cast %get3A_1 : vector<1x128xi32> to vector<128xi32>
    %broadcast_in_dim3A = vector.shape_cast %get3A_2 : vector<128xi32> to vector<1x128xi32>
    %eq3A = vector.broadcast %broadcast_in_dim3A : vector<1x128xi32> to vector<512x128xi32>
    %eq3A_3 = arith.cmpi eq, %iota3A, %eq3A : vector<512x128xi32>
    %convert_element_type3A = arith.extui %eq3A_3 : vector<512x128xi1> to vector<512x128xi32>
    %convert_element_type3A_4 = arith.sitofp %convert_element_type3A : vector<512x128xi32> to vector<512x128xf32>
    %get3A_5 = arith.constant 0 : index
    %get3A_6 = arith.constant 0 : index
    %get3A_7 = vector.load %arg2[%get3A_5, %get3A_6] : memref<1024x512xf32, #tpu.memory_space<vmem>>, vector<1024x512xf32>
    %dot_general3A = arith.constant dense<0.000000e+00> : vector<1024x128xf32>
    %dot_general3A_8 = tpu.matmul %get3A_7, %convert_element_type3A_4, %dot_general3A {dimension_numbers = #tpu.dot_dimension_numbers<[1], [0], [0], [1], [0, 0, 1, 1], [], []>, transpose_lhs_hint = false} : vector<1024x512xf32>, vector<512x128xf32>, vector<1024x128xf32> -> vector<1024x128xf32>
    %swap3A = arith.constant 0 : index
    %swap3A_9 = arith.constant 0 : index
    %swap3A_10 = vector.load %arg3[%swap3A, %swap3A_9] : memref<1024x128xf32, #tpu.memory_space<vmem>>, vector<1024x128xf32>
    tpu.vector_store %arg3[%swap3A, %swap3A_9], %dot_general3A_8 {strides = array<i32>} : memref<1024x128xf32, #tpu.memory_space<vmem>>, vector<1024x128xf32>,
    return
  }
  func.func @transform_0(%arg0: i32) -> (i32, i32) {
    %c0_i32 = arith.constant 0 : i32
    %c0_i32_0 = arith.constant 0 : i32
    %c0_i32_1 = arith.constant 0 : i32
    return %c0_i32, %c0_i32_0 : i32, i32
  }
  func.func @transform_1(%arg0: i32) -> (i32, i32) {
    %add3A = arith.constant 6 : i32
    %add3A_0 = arith.addi %arg0, %add3A : i32
    %c0_i32 = arith.constant 0 : i32
    %c0_i32_1 = arith.constant 0 : i32
    return %add3A_0, %c0_i32 : i32, i32
  }
  func.func @transform_2(%arg0: i32) -> (i32, i32) {
    %c0_i32 = arith.constant 0 : i32
    %c0_i32_0 = arith.constant 0 : i32
    return %arg0, %c0_i32 : i32, i32
  }
}

</mosaic_0001>

<sc_bundles>
// kernel: kernel.4.cloned.1.call-start
scs
__scs_entry_jumppad:
0x0: {  	(pc) =	sbr.rel $0x88, $3  }
0x1: {  	(tag) =	ssettag $0x0;
	lr =	simm.s32 $0x1  }
0x2: {  	[smem:$0x3F9F] =	sst lr;
	_ =	strace $0xD0000000  }
0x3: {  	_ = 	snop  }
0x4: {  	_ = 	snop  }
0x5: {  	_ = 	snop  }
0x6: {  	_ = 	snop  }
0x7: {  	_ = 	snop  }
__scs_overlays_trampoline_lowered:
0x8: {  	[smem:$0x3FAE] =	sst s0  }
0x9: {  	[smem:$0x3FAF] =	sst s1  }
0xa: {  	[smem:$0x3FB0] =	sst s2  }
0xb: {  	[smem:$0x3FB1] =	sst s3  }
0xc: {  	[smem:$0x3FB2] =	sst s4  }
0xd: {  	[smem:$0x3FB3] =	sst s5  }
0xe: {  	[smem:$0x3FB4] =	sst s6  }
0xf: {  	[smem:$0x3FB5] =	sst s7  }
0x10: {  	[smem:$0x3FB6] =	sst s8  }
0x11: {  	[smem:$0x3FB7] =	sst s9;
	s0 =	simm.s32 @!p0 $0x0  }
0x12: {  	s1 =	sld [smem:$0x3F9D];
	s0 =	simm.s32 @p0 $0x1  }
0x13: {  	[smem:$0x3FB8] =	sst s0;
	s0 =	simm.s32 @!p1 $0x0  }
0x14: {  	s2 =	sld [smem:$0x3F9C];
	s0 =	simm.s32 @p1 $0x1  }
0x15: {  	[smem:$0x3FB9] =	sst s0;
	s0 =	simm.s32 @!p2 $0x0  }
0x16: {  	s3 =	sld [smem:$0x3FDB];
	s0 =	simm.s32 @p2 $0x1  }
0x17: {  	s4 =	simm.s32 $0x1BF5;
	[smem:$0x3FBB] =	sst s0  }
0x18: {  	s0 =	sld [smem:$0x3F9E];
	_ =	swait.ge [sflag:s4], $0x0  }
0x19: {  	s7 =	sld [smem:$0x3F9F]  }
0x1a: {  	s8 =	sadd.s32 $0xFFFFE003, lr  }
0x1b: {  	s9 =	sadd.s32 $0xFFFFFEF7, lr;
	s5 =	simm.s32 $0xFFFFFFFF;
	p2 =	slt.u32 s8, $0xFFFFF086  }
0x1c: {  	p1 =	slt.u32 s9, $0xF7A;
	s5 =	simm.s32 @!p2 $0x0  }
0x1d: {  	s5 =	simm.s32 @p1 $0x1;
	p0 =	seq.s32 s7, s2  }
0x1e: {  	s7 =	smul.u32 @!p0 $0xF7A, s2;
	p2 =	seq.s32 @!p0 s5, $0x0  }
0x1f: {  	s9 =	smul.u32 $0xF7A, s1;
	s8 =	simm.s32 @!p0 $0x1BF5;
	p2 =	por !p2, p0  }
0x20: {  	[sflag:s8] =	ssyncset.s32 @!p0 $0xFFFFF086;
	s6 =	sadd.s32 @!p0 s3, s7;
	s7 =	simm.s32 @!p0 $0x108  }
0x21: {  	s3 =	sadd.s32 s3, s9;
	s6 =	sadd.s32 @!p0 $0x88, s6;
	s7 =	simm.s32 @p2 $0x1082  }
0x22: {  	[simem:s7], [sflag:s8] =	dma.local @!p0 [hbm:s6], $0xF7A  }
0x23: {  	s9 =	sor.u32 $0xD0000000, s2;
	s6 =	simm.s32 $0x108;
	_ =	swait.ge @!p0 [sflag:s8], $0x0  }
0x24: {  	s3 =	sadd.s32 $0x88, s3;
	s6 =	simm.s32 @!p1 $0x1082;
	[sflag:s4] =	ssyncset.s32 $0xFFFFF086  }
0x25: {  	[simem:s6], [sflag:s4] =	dma.local [hbm:s3], $0xF7A  }
0x26: {  	[smem:$0x3F9F] =	sst s1;
	(tag) =	ssettag s2;
	_ =	strace s9  }
0x27: {  	s1 =	sld [smem:$0x3FAF]  }
0x28: {  	s2 =	sld [smem:$0x3FB0]  }
0x29: {  	s4 =	sld [smem:$0x3FB2]  }
0x2a: {  	p0 =	seq.s32 s5, $0x0;
	s5 =	sld [smem:$0x3FB3]  }
0x2b: {  	s6 =	sld [smem:$0x3FB4]  }
0x2c: {  	s7 =	sld [smem:$0x3FB5]  }
0x2d: {  	s3 =	simm.s32 $0x108;
	s8 =	sld [smem:$0x3FB6]  }
0x2e: {  	s3 =	simm.s32 @!p0 $0x1082;
	s9 =	sld [smem:$0x3FB7]  }
0x2f: {  	lr =	sadd.s32 s0, s3;
	s0 =	sld [smem:$0x3FAE]  }
0x30: {  	s3 =	sld [smem:$0x3FB1]  }
0x31: {  	[smem:$0x3FBA] =	sst s10  }
0x32: {  	s10 =	sld [smem:$0x3FB8];
	_ =	sdelay $0x3  }
0x33: {  	p0 =	seq.s32 s10, $0x1;
	s10 =	sld [smem:$0x3FBA];
	_ =	sdelay $0x3  }
0x34: {  	[smem:$0x3FBA] =	sst s10  }
0x35: {  	s10 =	sld [smem:$0x3FB9];
	_ =	sdelay $0x3  }
0x36: {  	p1 =	seq.s32 s10, $0x1;
	s10 =	sld [smem:$0x3FBA];
	_ =	sdelay $0x3  }
0x37: {  	[smem:$0x3FBA] =	sst s10  }
0x38: {  	s10 =	sld [smem:$0x3FBB]  }
0x39: {  	_ = 	snop;
	(pc) =	sbr.ind lr, $3  }
0x3a: {  	_ = 	snop  }
0x3b: {  	_ = 	snop  }
0x3c: {  	p2 =	seq.s32 s10, $0x1;
	s10 =	sld [smem:$0x3FBA]  }
0x3d: {  	_ =	shalt  }
0x3e: {  	_ =	shalt  }
0x3f: {  	_ =	shalt  }
0x40: {  	_ =	shalt  }
0x41: {  	_ =	shalt  }
0x42: {  	_ =	shalt  }
0x43: {  	_ =	shalt  }
0x44: {  	_ =	shalt  }
0x45: {  	_ =	shalt  }
0x46: {  	_ =	shalt  }
0x47: {  	_ =	shalt  }
0x48: {  	_ =	shalt  }
0x49: {  	_ =	shalt  }
0x4a: {  	_ =	shalt  }
0x4b: {  	_ =	shalt  }
0x4c: {  	_ =	shalt  }
0x4d: {  	_ =	shalt  }
0x4e: {  	_ =	shalt  }
0x4f: {  	_ =	shalt  }
0x50: {  	_ =	shalt  }
0x51: {  	_ =	shalt  }
0x52: {  	_ =	shalt  }
0x53: {  	_ =	shalt  }
0x54: {  	_ =	shalt  }
0x55: {  	_ =	shalt  }
0x56: {  	_ =	shalt  }
0x57: {  	_ =	shalt  }
0x58: {  	_ =	shalt  }
0x59: {  	_ =	shalt  }
0x5a: {  	_ =	shalt  }
0x5b: {  	_ =	shalt  }
0x5c: {  	_ =	shalt  }
0x5d: {  	_ =	shalt  }
0x5e: {  	_ =	shalt  }
0x5f: {  	_ =	shalt  }
0x60: {  	_ =	shalt  }
0x61: {  	_ =	shalt  }
0x62: {  	_ =	shalt  }
0x63: {  	_ =	shalt  }
0x64: {  	_ =	shalt  }
0x65: {  	_ =	shalt  }
0x66: {  	_ =	shalt  }
0x67: {  	_ =	shalt  }
0x68: {  	_ =	shalt  }
0x69: {  	_ =	shalt  }
0x6a: {  	_ =	shalt  }
0x6b: {  	_ =	shalt  }
0x6c: {  	_ =	shalt  }
0x6d: {  	_ =	shalt  }
0x6e: {  	_ =	shalt  }
0x6f: {  	_ =	shalt  }
0x70: {  	_ =	shalt  }
0x71: {  	_ =	shalt  }
0x72: {  	_ =	shalt  }
0x73: {  	_ =	shalt  }
0x74: {  	_ =	shalt  }
0x75: {  	_ =	shalt  }
0x76: {  	_ =	shalt  }
0x77: {  	_ =	shalt  }
0x78: {  	_ =	shalt  }
0x79: {  	_ =	shalt  }
0x7a: {  	_ =	shalt  }
0x7b: {  	_ =	shalt  }
0x7c: {  	_ =	shalt  }
0x7d: {  	_ =	shalt  }
0x7e: {  	_ =	shalt  }
0x7f: {  	_ =	shalt  }
0x80: {  	_ =	shalt  }
0x81: {  	_ =	shalt  }
0x82: {  	_ =	shalt  }
0x83: {  	_ =	shalt  }
0x84: {  	_ =	shalt  }
0x85: {  	_ =	shalt  }
0x86: {  	_ =	shalt  }
0x87: {  	_ =	shalt  }
.Lfunc_end0:
.L_simem_size_0:
called_computation_lowered:
.L_overlay_start_0:
0x88: {  	s2 =	sld [smem:$0x3FD9]  }
0x89: {  	s3 =	sld [smem:$0x3FFE];
	_ =	sdelay $0x1  }
0x8a: {  	s1 =	srdreg.scid  }
0x8b: {  	s0 =	sand.u32 $0x1, s1  }
0x8c: {  	s17 =	sshll.u32 s0, $0xA;
	s2 =	sadd.s32 s3, s2  }
0x8d: {  	s2 =	sadd.s32 s2, s17  }
0x8e: {  	[smem:$0x3FC6] =	sst s2  }
0x8f: {  	_ = 	snop  }
0x90: {  	s2 =	sld [smem:$0x3FC9]  }
0x91: {  	s18 =	sld [smem:$0x3FC8];
	(tm) =	ssettm $0x1  }
0x92: {  	s4 =	sld [smem:$0x3FFB];
	_ =	sdelay $0x3  }
0x93: {  	_ =	strace s4  }
0x94: {  	s4 =	sld [smem:$0x3FFC];
	_ =	sdelay $0x3  }
0x95: {  	_ =	strace s4  }
0x96: {  	s4 =	sld [smem:$0x3FFD];
	_ =	sdelay $0x3  }
0x97: {  	_ =	strace s4  }
0x98: {  	_ =	strace $0x8FFFFFFF  }
0x99: {  	s19 =	sld [smem:$0x3FDB];
	_ =	sdelay $0x1  }
0x9a: {  	s5 =	simm.s32 $_scs_section_size  }
0x9b: {  	s6 =	simm.s32 $_size__tile_overlayer_lowered;
	s7 =	simm.s32 $_tile_overlayer_lowered  }
0x9c: {  	s22 =	simm.s32 $0x1BFF;
	s21 =	sshll.u32 s7, $0x1;
	s4 =	sadd.s32 s5, s19  }
0x9d: {  	s8 =	simm.s32 $0x0;
	s20 =	sshll.u32 s6, $0x1;
	s6 =	sadd.s32 s21, s4  }
0x9e: {  	[timem:s8], [sflag:s22] =	dma.local [hbm:s6], s20  }
0x9f: {  	_ =	swait.ge [sflag:s22], s20  }
0xa0: {  	s5 =	ssub.s32 $0x0, s20;
	[sflag:s22] =	ssyncset.done $0x0  }
0xa1: {  	[sflag:s22] =	ssyncadd.s32 s5;
	_ =	sdelay $0x1  }
0xa2: {  	s23 =	simm.s32 $0x1B8B  }
0xa3: {  	_ =	swait.ge [sflag:s23], $0x1  }
0xa4: {  	[sflag:s23] =	ssyncset.done $0x0  }
0xa5: {  	s25 =	simm.s32 $0x1B8E;
	s24 =	sld [smem:$0x3FFE];
	[sflag:s23] =	ssyncadd.s32 $0xFFFFFFFF  }
0xa6: {  	s26 =	simm.s32 $execute0_lowered;
	[smem:$0x3FD2] =	sst s25  }
0xa7: {  	s6 =	sshll.u32 s26, $0x1;
	_ =	strace $0x80000046;
	[dreg:$0x1] =	wrdreg $0xFFFFFFFF  }
0xa8: {  	s28 =	simm.s32 $_size_execute0_lowered;
	s4 =	sadd.s32 s4, s6;
	[dreg:$0x0] =	wrdreg $0x0  }
0xa9: {  	s6 =	sshll.u32 s28, $0x1;
	[dreg:$0x2] =	wrdreg s4  }
0xaa: {  	[dreg:$0x3] =	wrdreg s6  }
0xab: {  	[dreg:$0x4] =	wrdreg $0xC0  }
0xac: {  	_ =	task [dreg:s8], $0x5FFFF  }
0xad: {  	[dreg:$0x1] =	wrdreg $0xFFFFFFFF  }
0xae: {  	[dreg:$0x0] =	wrdreg $0x60  }
0xaf: {  	[dreg:$0x2] =	wrdreg s2  }
0xb0: {  	[dreg:$0x3] =	wrdreg s18  }
0xb1: {  	[dreg:$0x4] =	wrdreg s24  }
0xb2: {  	[dreg:$0x5] =	wrdreg $0x9  }
0xb3: {  	_ =	task.clear_ibuf [dreg:s8], $0x6FFFF;
	_ =	strace $0x90000046  }
0xb4: {  	s29 =	simm.s32 $0x9;
	_ =	strace $0x80000048  }
0xb5: {  	_ =	swait.ge [sflag:s29], $0x1  }
0xb6: {  	[sflag:s29] =	ssyncadd.s32 $0xFFFFFFFF  }
0xb7: {  	_ =	strace $0x90000048  }
0xb8: {  	_ =	sfence  }
0xb9: {  	s30 =	sld [smem:$0x0];
	_ =	sdelay $0x2  }
0xba: {  	s31 =	sshll.u32 s1, $0xD;
	s1 =	sshrl.u32 s1, $0x2  }
0xbb: {  	s3 =	sand.u32 $0x4000, s31;
	s1 =	sadd.s32 s1, s30  }
0xbc: {  	s0 =	sor.u32 s3, s0;
	s1 =	sshll.u32 s1, $0x11  }
0xbd: {  	s0 =	sor.u32 s1, s0  }
0xbe: {  	s0 =	sadd.s32 $0x8F2B, s0  }
0xbf: {  	[sflag:s0] =	ssyncadd.remote.s32 $0x1  }
0xc0: {  	_ =	sfence.sel $0xFFFF  }
0xc1: {  	[dreg:$0x0] =	wrdreg $0xFFFFFFFF;
	(pc) =	sbr.abs _section_cstart, $3  }
0xc2: {  	[dreg:$0x1] =	wrdreg $0xFFFFFFFF  }
0xc3: {  	_ =	task.clear_ibuf [dreg:s8], $0x2FFFF;
	_ =	strace $0x9FFFFFFF  }
0xc4: {  	(tm) =	ssettm $0x7FFFFFFF  }
0xc5: {  	_ =	shalt  }
tec
execute0_lowered:
.L_overlay_start_1:
0x0: {  	(tag) =	ssettag $0x1  }
0x1: {  	s8 =	rddreg [dreg:$0x0]  }
0x2: {  	s2 =	rddreg [dreg:$0x1];
	s1 =	srdreg.scid  }
0x3: {  	s0 =	stileid.u32;
	s4 =	rddreg [dreg:$0x2];
	s3 =	simm.s32 $0x0  }
0x4: {  	s11 =	simm.s32 $0x80;
	s12 =	simm.s32 $0x4080;
	s13 =	simm.s32 $0x1  }
0x5: {  	s14 =	simm.s32 $0x8080;
	s15 =	simm.s32 $0x2;
	s16 =	simm.s32 $0x9080  }
0x6: {  	s17 =	simm.s32 $0x3;
	s18 =	simm.s32 $0x4;
	s19 =	simm.s32 $0x0  }
0x7: {  	s5 =	sand.u32 $0x1, s1;
	s6 =	sshll.u32 s0, $0x1;
	s1 =	rddreg [dreg:$0x3]  }
.Ltmp0:
0x8: {  	[smem:$0x7FF] =	sst s3;
	s6 =	sor.u32 s5, s6;
	(pc) =	sbr.rel .LBB2_1-.Ltmp0, $4  }
0x9: {  	s4 =	sadd.s32 $0x600, s4;
	s9 =	ssub.s32 $0x2, s5;
	s7 =	smul.u32 $0x3000, s6  }
0xa: {  	_ =	strace $0x80000047;
	s10 =	sshrl.u32 s9, $0x1;
	s6 =	smul.u32 $0xC0, s6  }
0xb: {  	s9 =	ssub.s32 s9, s10;
	s10 =	simm.s32 $0x5;
	s5 =	sadd.s32 s8, s7  }
0xc: {  	s8 =	sadd.s32 $0x1000, s8;
	s9 =	smax.u32 s9, $0x1;
	s7 =	sadd.s32 $0x800, s5  }
.LBB2_8:
0xd: {  	s19 =	sadd.s32 $0x1, s19  }
0xe: {  	_ =	swait.ge [sflag:s17], $0x1000;
	p0 =	sne.s32 s19, s9  }
.Ltmp1:
0xf: {  	[sflag:s17] =	ssyncset.done $0x0;
	(pc) =	sbr.rel @!p0 .LBB2_9-.Ltmp1, $4  }
0x10: {  	[sflag:s17] =	ssyncadd.s32 $0xFFFFF000  }
0x11: {  	_ =	swait.ge [sflag:s18], $0x1000  }
0x12: {  	[sflag:s18] =	ssyncset.done $0x0  }
0x13: {  	[sflag:s18] =	ssyncadd.s32 $0xFFFFF000  }
.LBB2_1:
0x14: {  	[tilespmem:s3], [sflag:$0x5] =	stream.linear.gather [hbm4b:s2+s3], $0x80, $0x38;
	[tilespmem:$0xA080] =	vst v63  }
0x15: {  	_ =	swait.ge [sflag:s10], $0x80  }
0x16: {  	[sflag:s10] =	ssyncset.done $0x0  }
0x17: {  	[sflag:s10] =	ssyncadd.s32 $0xFFFFFF80  }
0x18: {  	v1 =	vld [tilespmem:$0x0]  }
0x19: {  	v2 =	vld [tilespmem:$0x10]  }
0x1a: {  	v5 =	vld [tilespmem:$0x20]  }
0x1b: {  	v6 =	vld [tilespmem:$0x30]  }
0x1c: {  	v9 =	vld [tilespmem:$0x40]  }
0x1d: {  	v10 =	vld [tilespmem:$0x50]  }
0x1e: {  	v13 =	vld [tilespmem:$0x60]  }
0x1f: {  	v14 =	vld [tilespmem:$0x70]  }
0x20: {  	v0 =	vand.u32 $0x7F, v1;
	v1 =	vshll.u32 v1, $0x3;
	v3 =	vshll.u32 v2, $0x3  }
0x21: {  	v2 =	vand.u32 $0x7F, v2;
	v4 =	vand.u32 $0x7F, v5;
	v5 =	vshll.u32 v5, $0x3  }
0x22: {  	v7 =	vshll.u32 v6, $0x3;
	v6 =	vand.u32 $0x7F, v6;
	v8 =	vand.u32 $0x7F, v9  }
0x23: {  	v9 =	vshll.u32 v9, $0x3;
	v11 =	vshll.u32 v10, $0x3;
	v10 =	vand.u32 $0x7F, v10  }
0x24: {  	v12 =	vand.u32 $0x7F, v13;
	v13 =	vshll.u32 v13, $0x3;
	v15 =	vshll.u32 v14, $0x3  }
0x25: {  	[tilespmem:s11], [sflag:$0x1] =	stream.linear.gather [hbm4b:s5+s3], $0x4000, $0x38;
	v14 =	vand.u32 $0x7F, v14;
	v1 =	vand.u32 $0xFFFFFC00, v1;
	v3 =	vand.u32 $0xFFFFFC00, v3;
	[tilespmem:$0xA080] =	vst v63  }
0x26: {  	s20 =	simm.s32 $0x0;
	v5 =	vand.u32 $0xFFFFFC00, v5;
	v7 =	vand.u32 $0xFFFFFC00, v7;
	v9 =	vand.u32 $0xFFFFFC00, v9  }
0x27: {  	[tilespmem:s12], [sflag:$0x2] =	stream.linear.gather [hbm4b:s7+s3], $0x4000, $0x38;
	v11 =	vand.u32 $0xFFFFFC00, v11;
	v13 =	vand.u32 $0xFFFFFC00, v13;
	v15 =	vand.u32 $0xFFFFFC00, v15;
	[tilespmem:$0xA080] =	vst v63  }
.LBB2_2:
0x28: {  	s21 =	simm.s32 $0x0  }
0x29: {  	v16 =	vmov s21  }
0x2a: {  	v17 =	vshll.u32 v16, $0x9  }
0x2b: {  	v16 =	vshll.u32 v16, $0x7;
	v17 =	vand.u32 $0x3000, v17  }
0x2c: {  	v16 =	vand.u32 $0x200, v16;
	v18 =	vadd.s32 v1, v17  }
0x2d: {  	_ =	swait.ge [sflag:s13], $0x4000;
	v18 =	vor.u32 v16, v18  }
0x2e: {  	p1 =	seq.s32 s20, $0x0;
	[sflag:s13] =	ssyncset.done $0x0;
	v18 =	vor.u32 v0, v18  }
0x2f: {  	s21 =	simm.s32 @!p1 $0x3;
	[sflag:s13] =	ssyncadd.s32 $0xFFFFC000  }
0x30: {  	_ =	swait.ge @!p1 [sflag:s21], $0x1000  }
0x31: {  	[sflag:s21] =	ssyncset.done @!p1 $0x0  }
0x32: {  	v19 =	vadd.s32 v3, v17;
	[sflag:s21] =	ssyncadd.s32 @!p1 $0xFFFFF000  }
0x33: {  	v19 =	vor.u32 v16, v19;
	v18 =	vld.idx.msk [tilespmem:v18+s11+$0x0], $0xffff  }
0x34: {  	v19 =	vor.u32 v2, v19;
	_ =	sdelay $0x2  }
0x35: {  	s23 =	simm.s32 $0x8180  }
0x36: {  	[tilespmem:s23+$0xFFFFFF00] =	vst v18;
	v18 =	vadd.s32 v5, v17  }
0x37: {  	v19 =	vld.idx.msk [tilespmem:v19+s11+$0x0], $0xffff;
	v18 =	vor.u32 v16, v18  }
0x38: {  	v18 =	vor.u32 v4, v18;
	_ =	sdelay $0x3  }
0x39: {  	[tilespmem:s23+$0xFFFFFF10] =	vst v19;
	v19 =	vadd.s32 v7, v17  }
0x3a: {  	v18 =	vld.idx.msk [tilespmem:v18+s11+$0x0], $0xffff;
	v19 =	vor.u32 v16, v19  }
0x3b: {  	v19 =	vor.u32 v6, v19;
	_ =	sdelay $0x3  }
0x3c: {  	[tilespmem:s23+$0xFFFFFF20] =	vst v18;
	v18 =	vadd.s32 v9, v17  }
0x3d: {  	v19 =	vld.idx.msk [tilespmem:v19+s11+$0x0], $0xffff;
	v18 =	vor.u32 v16, v18  }
0x3e: {  	v18 =	vor.u32 v8, v18;
	_ =	sdelay $0x3  }
0x3f: {  	[tilespmem:s23+$0xFFFFFF30] =	vst v19;
	v19 =	vadd.s32 v11, v17  }
0x40: {  	v18 =	vld.idx.msk [tilespmem:v18+s11+$0x0], $0xffff;
	v19 =	vor.u32 v16, v19  }
0x41: {  	v19 =	vor.u32 v10, v19;
	_ =	sdelay $0x3  }
0x42: {  	[tilespmem:s23+$0xFFFFFF40] =	vst v18;
	v18 =	vadd.s32 v13, v17  }
0x43: {  	v19 =	vld.idx.msk [tilespmem:v19+s11+$0x0], $0xffff;
	v18 =	vor.u32 v16, v18  }
0x44: {  	v18 =	vor.u32 v12, v18;
	_ =	sdelay $0x3  }
0x45: {  	v17 =	vadd.s32 v15, v17;
	[tilespmem:s23+$0xFFFFFF50] =	vst v19  }
0x46: {  	v16 =	vor.u32 v16, v17;
	v18 =	vld.idx.msk [tilespmem:v18+s11+$0x0], $0xffff  }
0x47: {  	s29 =	simm.s32 $0x1;
	v16 =	vor.u32 v14, v16  }
0x48: {  	v17 =	vmov s29  }
0x49: {  	v19 =	vshll.u32 v17, $0x9  }
0x4a: {  	v17 =	vshll.u32 v17, $0x7;
	v19 =	vand.u32 $0x3000, v19  }
0x4b: {  	v17 =	vand.u32 $0x280, v17;
	[tilespmem:s23+$0xFFFFFF60] =	vst v18;
	v18 =	vadd.s32 v1, v19  }
0x4c: {  	v16 =	vld.idx.msk [tilespmem:v16+s11+$0x0], $0xffff;
	v18 =	vor.u32 v17, v18  }
0x4d: {  	v18 =	vor.u32 v0, v18;
	_ =	sdelay $0x3  }
0x4e: {  	[tilespmem:s23+$0xFFFFFF70] =	vst v16;
	v16 =	vadd.s32 v3, v19  }
0x4f: {  	v18 =	vld.idx.msk [tilespmem:v18+s11+$0x0], $0xffff;
	v16 =	vor.u32 v17, v16  }
0x50: {  	v16 =	vor.u32 v2, v16;
	_ =	sdelay $0x3  }
0x51: {  	[tilespmem:s23+$0xFFFFFF80] =	vst v18;
	v18 =	vadd.s32 v5, v19  }
0x52: {  	v16 =	vld.idx.msk [tilespmem:v16+s11+$0x0], $0xffff;
	v18 =	vor.u32 v17, v18  }
0x53: {  	v18 =	vor.u32 v4, v18;
	_ =	sdelay $0x3  }
0x54: {  	[tilespmem:s23+$0xFFFFFF90] =	vst v16;
	v16 =	vadd.s32 v7, v19  }
0x55: {  	v18 =	vld.idx.msk [tilespmem:v18+s11+$0x0], $0xffff;
	v16 =	vor.u32 v17, v16  }
0x56: {  	v16 =	vor.u32 v6, v16;
	_ =	sdelay $0x3  }
0x57: {  	[tilespmem:s23+$0xFFFFFFA0] =	vst v18;
	v18 =	vadd.s32 v9, v19  }
0x58: {  	v16 =	vld.idx.msk [tilespmem:v16+s11+$0x0], $0xffff;
	v18 =	vor.u32 v17, v18  }
0x59: {  	v18 =	vor.u32 v8, v18;
	_ =	sdelay $0x3  }
0x5a: {  	[tilespmem:s23+$0xFFFFFFB0] =	vst v16;
	v16 =	vadd.s32 v11, v19  }
0x5b: {  	v18 =	vld.idx.msk [tilespmem:v18+s11+$0x0], $0xffff;
	v16 =	vor.u32 v17, v16  }
0x5c: {  	v16 =	vor.u32 v10, v16;
	_ =	sdelay $0x3  }
0x5d: {  	[tilespmem:s23+$0xFFFFFFC0] =	vst v18;
	v18 =	vadd.s32 v13, v19  }
0x5e: {  	v16 =	vld.idx.msk [tilespmem:v16+s11+$0x0], $0xffff;
	v18 =	vor.u32 v17, v18  }
0x5f: {  	v18 =	vor.u32 v12, v18;
	_ =	sdelay $0x3  }
0x60: {  	[tilespmem:s23+$0xFFFFFFD0] =	vst v16;
	v16 =	vadd.s32 v15, v19  }
0x61: {  	v18 =	vld.idx.msk [tilespmem:v18+s11+$0x0], $0xffff;
	v16 =	vor.u32 v17, v16  }
0x62: {  	s30 =	simm.s32 $0x2;
	v16 =	vor.u32 v14, v16  }
0x63: {  	v17 =	vmov s30  }
0x64: {  	v19 =	vshll.u32 v17, $0x9  }
0x65: {  	v17 =	vshll.u32 v17, $0x7;
	v19 =	vand.u32 $0x3000, v19  }
0x66: {  	v17 =	vand.u32 $0x300, v17;
	[tilespmem:s23+$0xFFFFFFE0] =	vst v18;
	v18 =	vadd.s32 v1, v19  }
0x67: {  	v16 =	vld.idx.msk [tilespmem:v16+s11+$0x0], $0xffff;
	v18 =	vor.u32 v17, v18  }
0x68: {  	v18 =	vor.u32 v0, v18;
	_ =	sdelay $0x3  }
0x69: {  	[tilespmem:s23+$0xFFFFFFF0] =	vst v16;
	v16 =	vadd.s32 v3, v19  }
0x6a: {  	v18 =	vld.idx.msk [tilespmem:v18+s11+$0x0], $0xffff;
	v16 =	vor.u32 v17, v16  }
0x6b: {  	v16 =	vor.u32 v2, v16;
	_ =	sdelay $0x3  }
0x6c: {  	[tilespmem:s23+$0x0] =	vst v18;
	v18 =	vadd.s32 v5, v19  }
0x6d: {  	v16 =	vld.idx.msk [tilespmem:v16+s11+$0x0], $0xffff;
	v18 =	vor.u32 v17, v18  }
0x6e: {  	v18 =	vor.u32 v4, v18;
	_ =	sdelay $0x3  }
0x6f: {  	[tilespmem:s23+$0x10] =	vst v16;
	v16 =	vadd.s32 v7, v19  }
0x70: {  	v18 =	vld.idx.msk [tilespmem:v18+s11+$0x0], $0xffff;
	v16 =	vor.u32 v17, v16  }
0x71: {  	v16 =	vor.u32 v6, v16;
	_ =	sdelay $0x3  }
0x72: {  	[tilespmem:s23+$0x20] =	vst v18;
	v18 =	vadd.s32 v9, v19  }
0x73: {  	v16 =	vld.idx.msk [tilespmem:v16+s11+$0x0], $0xffff;
	v18 =	vor.u32 v17, v18  }
0x74: {  	v18 =	vor.u32 v8, v18;
	_ =	sdelay $0x3  }
0x75: {  	[tilespmem:s23+$0x30] =	vst v16;
	v16 =	vadd.s32 v11, v19  }
0x76: {  	v18 =	vld.idx.msk [tilespmem:v18+s11+$0x0], $0xffff;
	v16 =	vor.u32 v17, v16  }
0x77: {  	v16 =	vor.u32 v10, v16;
	_ =	sdelay $0x3  }
0x78: {  	[tilespmem:s23+$0x40] =	vst v18;
	v18 =	vadd.s32 v13, v19  }
0x79: {  	v16 =	vld.idx.msk [tilespmem:v16+s11+$0x0], $0xffff;
	v18 =	vor.u32 v17, v18  }
0x7a: {  	v18 =	vor.u32 v12, v18;
	_ =	sdelay $0x3  }
0x7b: {  	[tilespmem:s23+$0x50] =	vst v16;
	v16 =	vadd.s32 v15, v19  }
0x7c: {  	v18 =	vld.idx.msk [tilespmem:v18+s11+$0x0], $0xffff;
	v16 =	vor.u32 v17, v16  }
0x7d: {  	s31 =	simm.s32 $0x3;
	v16 =	vor.u32 v14, v16  }
0x7e: {  	v17 =	vmov s31  }
0x7f: {  	v19 =	vshll.u32 v17, $0x9  }
0x80: {  	v17 =	vshll.u32 v17, $0x7;
	v19 =	vand.u32 $0x3000, v19  }
0x81: {  	v17 =	vand.u32 $0x380, v17;
	[tilespmem:s23+$0x60] =	vst v18;
	v18 =	vadd.s32 v1, v19  }
0x82: {  	v16 =	vld.idx.msk [tilespmem:v16+s11+$0x0], $0xffff;
	v18 =	vor.u32 v17, v18  }
0x83: {  	v18 =	vor.u32 v0, v18;
	_ =	sdelay $0x3  }
0x84: {  	[tilespmem:s23+$0x70] =	vst v16;
	v16 =	vadd.s32 v3, v19  }
0x85: {  	v18 =	vld.idx.msk [tilespmem:v18+s11+$0x0], $0xffff;
	v16 =	vor.u32 v17, v16  }
0x86: {  	v16 =	vor.u32 v2, v16;
	_ =	sdelay $0x3  }
0x87: {  	[tilespmem:s23+$0x80] =	vst v18;
	v18 =	vadd.s32 v5, v19  }
0x88: {  	v16 =	vld.idx.msk [tilespmem:v16+s11+$0x0], $0xffff;
	v18 =	vor.u32 v17, v18  }
0x89: {  	v18 =	vor.u32 v4, v18;
	_ =	sdelay $0x3  }
0x8a: {  	[tilespmem:s23+$0x90] =	vst v16;
	v16 =	vadd.s32 v7, v19  }
0x8b: {  	v18 =	vld.idx.msk [tilespmem:v18+s11+$0x0], $0xffff;
	v16 =	vor.u32 v17, v16  }
0x8c: {  	v16 =	vor.u32 v6, v16;
	_ =	sdelay $0x3  }
0x8d: {  	[tilespmem:s23+$0xA0] =	vst v18;
	v18 =	vadd.s32 v9, v19  }
0x8e: {  	v16 =	vld.idx.msk [tilespmem:v16+s11+$0x0], $0xffff;
	v18 =	vor.u32 v17, v18  }
0x8f: {  	v18 =	vor.u32 v8, v18;
	_ =	sdelay $0x3  }
0x90: {  	[tilespmem:s23+$0xB0] =	vst v16;
	v16 =	vadd.s32 v11, v19  }
0x91: {  	v18 =	vld.idx.msk [tilespmem:v18+s11+$0x0], $0xffff;
	v16 =	vor.u32 v17, v16  }
0x92: {  	v16 =	vor.u32 v10, v16;
	_ =	sdelay $0x3  }
0x93: {  	[tilespmem:s23+$0xC0] =	vst v18;
	v18 =	vadd.s32 v13, v19  }
0x94: {  	v16 =	vld.idx.msk [tilespmem:v16+s11+$0x0], $0xffff;
	v18 =	vor.u32 v17, v18  }
0x95: {  	v18 =	vor.u32 v12, v18;
	_ =	sdelay $0x3  }
0x96: {  	v19 =	vadd.s32 v15, v19;
	[tilespmem:s23+$0xD0] =	vst v16  }
0x97: {  	v16 =	vor.u32 v17, v19;
	v17 =	vld.idx.msk [tilespmem:v18+s11+$0x0], $0xffff  }
0x98: {  	v16 =	vor.u32 v14, v16  }
0x99: {  	s24 =	simm.s32 $0x4;
	s21 =	sshll.u32 s20, $0x6  }
0x9a: {  	s25 =	simm.s32 $0x8;
	s22 =	sadd.s32 s6, s21;
	v18 =	vmov s24  }
.LBB2_3:
0x9b: {  	p0 =	sne.s32 s25, $0x1C;
	v19 =	vshll.u32 v18, $0x9  }
0x9c: {  	v18 =	vshll.u32 v18, $0x7;
	v19 =	vand.u32 $0x3000, v19;
	[tilespmem:s23+$0xE0] =	vst v17  }
0x9d: {  	v18 =	vand.u32 $0x200, v18;
	v17 =	vadd.s32 v1, v19;
	v16 =	vld.idx.msk [tilespmem:v16+s11+$0x0], $0xffff  }
0x9e: {  	v17 =	vor.u32 v18, v17  }
0x9f: {  	v17 =	vor.u32 v0, v17;
	_ =	sdelay $0x3  }
0xa0: {  	[tilespmem:s23+$0xF0] =	vst v16  }
0xa1: {  	v16 =	vld.idx.msk [tilespmem:v17+s11+$0x0], $0xffff;
	v17 =	vadd.s32 v3, v19  }
0xa2: {  	v17 =	vor.u32 v18, v17  }
0xa3: {  	v17 =	vor.u32 v2, v17;
	_ =	sdelay $0x2  }
0xa4: {  	s23 =	sadd.s32 $0x200, s23  }
0xa5: {  	[tilespmem:s23+$0xFFFFFF00] =	vst v16  }
0xa6: {  	v16 =	vld.idx.msk [tilespmem:v17+s11+$0x0], $0xffff;
	v17 =	vadd.s32 v5, v19  }
0xa7: {  	v17 =	vor.u32 v18, v17  }
0xa8: {  	v17 =	vor.u32 v4, v17;
	_ =	sdelay $0x3  }
0xa9: {  	[tilespmem:s23+$0xFFFFFF10] =	vst v16  }
0xaa: {  	v16 =	vld.idx.msk [tilespmem:v17+s11+$0x0], $0xffff;
	v17 =	vadd.s32 v7, v19  }
0xab: {  	v17 =	vor.u32 v18, v17  }
0xac: {  	v17 =	vor.u32 v6, v17;
	_ =	sdelay $0x3  }
0xad: {  	[tilespmem:s23+$0xFFFFFF20] =	vst v16  }
0xae: {  	v16 =	vld.idx.msk [tilespmem:v17+s11+$0x0], $0xffff;
	v17 =	vadd.s32 v9, v19  }
0xaf: {  	v17 =	vor.u32 v18, v17  }
0xb0: {  	v17 =	vor.u32 v8, v17;
	_ =	sdelay $0x3  }
0xb1: {  	[tilespmem:s23+$0xFFFFFF30] =	vst v16  }
0xb2: {  	v16 =	vld.idx.msk [tilespmem:v17+s11+$0x0], $0xffff;
	v17 =	vadd.s32 v11, v19  }
0xb3: {  	v17 =	vor.u32 v18, v17  }
0xb4: {  	v17 =	vor.u32 v10, v17;
	_ =	sdelay $0x3  }
0xb5: {  	[tilespmem:s23+$0xFFFFFF40] =	vst v16  }
0xb6: {  	v16 =	vld.idx.msk [tilespmem:v17+s11+$0x0], $0xffff;
	v17 =	vadd.s32 v13, v19  }
0xb7: {  	v17 =	vor.u32 v18, v17  }
0xb8: {  	v17 =	vor.u32 v12, v17;
	_ =	sdelay $0x3  }
0xb9: {  	[tilespmem:s23+$0xFFFFFF50] =	vst v16  }
0xba: {  	v16 =	vld.idx.msk [tilespmem:v17+s11+$0x0], $0xffff;
	v17 =	vadd.s32 v15, v19  }
0xbb: {  	v17 =	vor.u32 v18, v17  }
0xbc: {  	v17 =	vor.u32 v14, v17  }
0xbd: {  	s26 =	sadd.s32 $0x1, s24  }
0xbe: {  	v18 =	vmov s26  }
0xbf: {  	v19 =	vshll.u32 v18, $0x9  }
0xc0: {  	v18 =	vshll.u32 v18, $0x7;
	[tilespmem:s23+$0xFFFFFF60] =	vst v16;
	v16 =	vand.u32 $0x3000, v19  }
0xc1: {  	v18 =	vand.u32 $0x280, v18;
	v17 =	vld.idx.msk [tilespmem:v17+s11+$0x0], $0xffff;
	v19 =	vadd.s32 v1, v16  }
0xc2: {  	v19 =	vor.u32 v18, v19  }
0xc3: {  	v19 =	vor.u32 v0, v19;
	_ =	sdelay $0x3  }
0xc4: {  	[tilespmem:s23+$0xFFFFFF70] =	vst v17  }
0xc5: {  	v17 =	vld.idx.msk [tilespmem:v19+s11+$0x0], $0xffff;
	v19 =	vadd.s32 v3, v16  }
0xc6: {  	v19 =	vor.u32 v18, v19  }
0xc7: {  	v19 =	vor.u32 v2, v19;
	_ =	sdelay $0x3  }
0xc8: {  	[tilespmem:s23+$0xFFFFFF80] =	vst v17  }
0xc9: {  	v17 =	vld.idx.msk [tilespmem:v19+s11+$0x0], $0xffff;
	v19 =	vadd.s32 v5, v16  }
0xca: {  	v19 =	vor.u32 v18, v19  }
0xcb: {  	v19 =	vor.u32 v4, v19;
	_ =	sdelay $0x3  }
0xcc: {  	[tilespmem:s23+$0xFFFFFF90] =	vst v17  }
0xcd: {  	v17 =	vld.idx.msk [tilespmem:v19+s11+$0x0], $0xffff;
	v19 =	vadd.s32 v7, v16  }
0xce: {  	v19 =	vor.u32 v18, v19  }
0xcf: {  	v19 =	vor.u32 v6, v19;
	_ =	sdelay $0x3  }
0xd0: {  	[tilespmem:s23+$0xFFFFFFA0] =	vst v17  }
0xd1: {  	v17 =	vld.idx.msk [tilespmem:v19+s11+$0x0], $0xffff;
	v19 =	vadd.s32 v9, v16  }
0xd2: {  	v19 =	vor.u32 v18, v19  }
0xd3: {  	v19 =	vor.u32 v8, v19;
	_ =	sdelay $0x3  }
0xd4: {  	[tilespmem:s23+$0xFFFFFFB0] =	vst v17  }
0xd5: {  	v17 =	vld.idx.msk [tilespmem:v19+s11+$0x0], $0xffff;
	v19 =	vadd.s32 v11, v16  }
0xd6: {  	v19 =	vor.u32 v18, v19  }
0xd7: {  	v19 =	vor.u32 v10, v19;
	_ =	sdelay $0x3  }
0xd8: {  	[tilespmem:s23+$0xFFFFFFC0] =	vst v17  }
0xd9: {  	v17 =	vld.idx.msk [tilespmem:v19+s11+$0x0], $0xffff;
	v19 =	vadd.s32 v13, v16  }
0xda: {  	v19 =	vor.u32 v18, v19  }
0xdb: {  	v19 =	vor.u32 v12, v19;
	_ =	sdelay $0x3  }
0xdc: {  	[tilespmem:s23+$0xFFFFFFD0] =	vst v17  }
0xdd: {  	v16 =	vadd.s32 v15, v16;
	v17 =	vld.idx.msk [tilespmem:v19+s11+$0x0], $0xffff  }
0xde: {  	v16 =	vor.u32 v18, v16  }
0xdf: {  	v16 =	vor.u32 v14, v16  }
0xe0: {  	s26 =	sadd.s32 $0x2, s24  }
0xe1: {  	v18 =	vmov s26  }
0xe2: {  	v19 =	vshll.u32 v18, $0x9  }
0xe3: {  	v18 =	vshll.u32 v18, $0x7;
	[tilespmem:s23+$0xFFFFFFE0] =	vst v17;
	v17 =	vand.u32 $0x3000, v19  }
0xe4: {  	v18 =	vand.u32 $0x300, v18;
	v16 =	vld.idx.msk [tilespmem:v16+s11+$0x0], $0xffff;
	v19 =	vadd.s32 v1, v17  }
0xe5: {  	v19 =	vor.u32 v18, v19  }
0xe6: {  	v19 =	vor.u32 v0, v19;
	_ =	sdelay $0x3  }
0xe7: {  	[tilespmem:s23+$0xFFFFFFF0] =	vst v16  }
0xe8: {  	v16 =	vld.idx.msk [tilespmem:v19+s11+$0x0], $0xffff;
	v19 =	vadd.s32 v3, v17  }
0xe9: {  	v19 =	vor.u32 v18, v19  }
0xea: {  	v19 =	vor.u32 v2, v19;
	_ =	sdelay $0x3  }
0xeb: {  	[tilespmem:s23+$0x0] =	vst v16  }
0xec: {  	v16 =	vld.idx.msk [tilespmem:v19+s11+$0x0], $0xffff;
	v19 =	vadd.s32 v5, v17  }
0xed: {  	v19 =	vor.u32 v18, v19  }
0xee: {  	v19 =	vor.u32 v4, v19;
	_ =	sdelay $0x3  }
0xef: {  	[tilespmem:s23+$0x10] =	vst v16  }
0xf0: {  	v16 =	vld.idx.msk [tilespmem:v19+s11+$0x0], $0xffff;
	v19 =	vadd.s32 v7, v17  }
0xf1: {  	v19 =	vor.u32 v18, v19  }
0xf2: {  	v19 =	vor.u32 v6, v19;
	_ =	sdelay $0x3  }
0xf3: {  	[tilespmem:s23+$0x20] =	vst v16  }
0xf4: {  	v16 =	vld.idx.msk [tilespmem:v19+s11+$0x0], $0xffff;
	v19 =	vadd.s32 v9, v17  }
0xf5: {  	v19 =	vor.u32 v18, v19  }
0xf6: {  	v19 =	vor.u32 v8, v19;
	_ =	sdelay $0x3  }
0xf7: {  	[tilespmem:s23+$0x30] =	vst v16  }
0xf8: {  	v16 =	vld.idx.msk [tilespmem:v19+s11+$0x0], $0xffff;
	v19 =	vadd.s32 v11, v17  }
0xf9: {  	v19 =	vor.u32 v18, v19  }
0xfa: {  	v19 =	vor.u32 v10, v19;
	_ =	sdelay $0x3  }
0xfb: {  	[tilespmem:s23+$0x40] =	vst v16  }
0xfc: {  	v16 =	vld.idx.msk [tilespmem:v19+s11+$0x0], $0xffff;
	v19 =	vadd.s32 v13, v17  }
0xfd: {  	v19 =	vor.u32 v18, v19  }
0xfe: {  	v19 =	vor.u32 v12, v19;
	_ =	sdelay $0x3  }
0xff: {  	[tilespmem:s23+$0x50] =	vst v16  }
0x100: {  	v17 =	vadd.s32 v15, v17;
	v16 =	vld.idx.msk [tilespmem:v19+s11+$0x0], $0xffff  }
0x101: {  	v17 =	vor.u32 v18, v17  }
0x102: {  	v17 =	vor.u32 v14, v17  }
0x103: {  	s26 =	sadd.s32 $0x3, s24;
	s24 =	smov.u32 s25  }
0x104: {  	v18 =	vmov s26  }
0x105: {  	v19 =	vshll.u32 v18, $0x9  }
0x106: {  	v18 =	vshll.u32 v18, $0x7;
	[tilespmem:s23+$0x60] =	vst v16;
	v16 =	vand.u32 $0x3000, v19  }
0x107: {  	v18 =	vand.u32 $0x380, v18;
	v17 =	vld.idx.msk [tilespmem:v17+s11+$0x0], $0xffff;
	v19 =	vadd.s32 v1, v16  }
0x108: {  	v19 =	vor.u32 v18, v19  }
0x109: {  	v19 =	vor.u32 v0, v19;
	_ =	sdelay $0x3  }
0x10a: {  	[tilespmem:s23+$0x70] =	vst v17  }
0x10b: {  	v17 =	vld.idx.msk [tilespmem:v19+s11+$0x0], $0xffff;
	v19 =	vadd.s32 v3, v16  }
0x10c: {  	v19 =	vor.u32 v18, v19  }
0x10d: {  	v19 =	vor.u32 v2, v19;
	_ =	sdelay $0x3  }
0x10e: {  	[tilespmem:s23+$0x80] =	vst v17  }
0x10f: {  	v17 =	vld.idx.msk [tilespmem:v19+s11+$0x0], $0xffff;
	v19 =	vadd.s32 v5, v16  }
0x110: {  	v19 =	vor.u32 v18, v19  }
0x111: {  	v19 =	vor.u32 v4, v19;
	_ =	sdelay $0x3  }
0x112: {  	[tilespmem:s23+$0x90] =	vst v17  }
0x113: {  	v17 =	vld.idx.msk [tilespmem:v19+s11+$0x0], $0xffff;
	v19 =	vadd.s32 v7, v16  }
0x114: {  	v19 =	vor.u32 v18, v19  }
0x115: {  	v19 =	vor.u32 v6, v19;
	_ =	sdelay $0x3  }
0x116: {  	[tilespmem:s23+$0xA0] =	vst v17  }
0x117: {  	v17 =	vld.idx.msk [tilespmem:v19+s11+$0x0], $0xffff;
	v19 =	vadd.s32 v9, v16  }
0x118: {  	v19 =	vor.u32 v18, v19  }
0x119: {  	v19 =	vor.u32 v8, v19;
	_ =	sdelay $0x3  }
0x11a: {  	[tilespmem:s23+$0xB0] =	vst v17  }
0x11b: {  	v17 =	vld.idx.msk [tilespmem:v19+s11+$0x0], $0xffff;
	v19 =	vadd.s32 v11, v16  }
0x11c: {  	v19 =	vor.u32 v18, v19  }
0x11d: {  	v19 =	vor.u32 v10, v19;
	_ =	sdelay $0x3  }
0x11e: {  	[tilespmem:s23+$0xC0] =	vst v17  }
0x11f: {  	v17 =	vld.idx.msk [tilespmem:v19+s11+$0x0], $0xffff;
	v19 =	vadd.s32 v13, v16  }
0x120: {  	v19 =	vor.u32 v18, v19  }
0x121: {  	v19 =	vor.u32 v12, v19;
	_ =	sdelay $0x3  }
0x122: {  	[tilespmem:s23+$0xD0] =	vst v17  }
.Ltmp2:
0x123: {  	v16 =	vadd.s32 v15, v16;
	v17 =	vld.idx.msk [tilespmem:v19+s11+$0x0], $0xffff;
	(pc) =	sbr.rel @p0 .LBB2_3-.Ltmp2, $3  }
0x124: {  	v16 =	vor.u32 v18, v16  }
0x125: {  	v16 =	vor.u32 v14, v16;
	_ =	sdelay $0x1  }
0x126: {  	s25 =	sadd.s32 $0x4, s25;
	v18 =	vmov s24  }
0x127: {  	_ = 	snop  }
0x128: {  	v19 =	vshll.u32 v18, $0x9  }
0x129: {  	v18 =	vshll.u32 v18, $0x7;
	v19 =	vand.u32 $0x3000, v19  }
0x12a: {  	[tilespmem:s23+$0xE0] =	vst v17;
	v18 =	vand.u32 $0x200, v18;
	v17 =	vadd.s32 v1, v19  }
0x12b: {  	v16 =	vld.idx.msk [tilespmem:v16+s11+$0x0], $0xffff;
	v17 =	vor.u32 v18, v17  }
0x12c: {  	v17 =	vor.u32 v0, v17;
	_ =	sdelay $0x3  }
0x12d: {  	[tilespmem:s23+$0xF0] =	vst v16;
	v16 =	vadd.s32 v3, v19  }
0x12e: {  	v16 =	vor.u32 v18, v16;
	v17 =	vld.idx.msk [tilespmem:v17+s11+$0x0], $0xffff  }
0x12f: {  	v16 =	vor.u32 v2, v16;
	_ =	sdelay $0x2  }
0x130: {  	s29 =	sadd.s32 $0x200, s23  }
0x131: {  	[tilespmem:s29+$0xFFFFFF00] =	vst v17;
	v17 =	vadd.s32 v5, v19  }
0x132: {  	v16 =	vld.idx.msk [tilespmem:v16+s11+$0x0], $0xffff;
	v17 =	vor.u32 v18, v17  }
0x133: {  	v17 =	vor.u32 v4, v17;
	_ =	sdelay $0x3  }
0x134: {  	[tilespmem:s29+$0xFFFFFF10] =	vst v16;
	v16 =	vadd.s32 v7, v19  }
0x135: {  	v17 =	vld.idx.msk [tilespmem:v17+s11+$0x0], $0xffff;
	v16 =	vor.u32 v18, v16  }
0x136: {  	v16 =	vor.u32 v6, v16;
	_ =	sdelay $0x3  }
0x137: {  	[tilespmem:s29+$0xFFFFFF20] =	vst v17;
	v17 =	vadd.s32 v9, v19  }
0x138: {  	v16 =	vld.idx.msk [tilespmem:v16+s11+$0x0], $0xffff;
	v17 =	vor.u32 v18, v17  }
0x139: {  	v17 =	vor.u32 v8, v17;
	_ =	sdelay $0x3  }
0x13a: {  	[tilespmem:s29+$0xFFFFFF30] =	vst v16;
	v16 =	vadd.s32 v11, v19  }
0x13b: {  	v17 =	vld.idx.msk [tilespmem:v17+s11+$0x0], $0xffff;
	v16 =	vor.u32 v18, v16  }
0x13c: {  	v16 =	vor.u32 v10, v16;
	_ =	sdelay $0x3  }
0x13d: {  	[tilespmem:s29+$0xFFFFFF40] =	vst v17;
	v17 =	vadd.s32 v13, v19  }
0x13e: {  	v16 =	vld.idx.msk [tilespmem:v16+s11+$0x0], $0xffff;
	v17 =	vor.u32 v18, v17  }
0x13f: {  	v17 =	vor.u32 v12, v17;
	_ =	sdelay $0x3  }
0x140: {  	[tilespmem:s29+$0xFFFFFF50] =	vst v16;
	v16 =	vadd.s32 v15, v19  }
0x141: {  	v17 =	vld.idx.msk [tilespmem:v17+s11+$0x0], $0xffff;
	v16 =	vor.u32 v18, v16  }
0x142: {  	s25 =	sadd.s32 $0x1, s24;
	v16 =	vor.u32 v14, v16  }
0x143: {  	v18 =	vmov s25  }
0x144: {  	v19 =	vshll.u32 v18, $0x9  }
0x145: {  	v18 =	vshll.u32 v18, $0x7;
	v19 =	vand.u32 $0x3000, v19  }
0x146: {  	v18 =	vand.u32 $0x280, v18;
	[tilespmem:s29+$0xFFFFFF60] =	vst v17;
	v17 =	vadd.s32 v1, v19  }
0x147: {  	v16 =	vld.idx.msk [tilespmem:v16+s11+$0x0], $0xffff;
	v17 =	vor.u32 v18, v17  }
0x148: {  	v17 =	vor.u32 v0, v17;
	_ =	sdelay $0x3  }
0x149: {  	[tilespmem:s29+$0xFFFFFF70] =	vst v16;
	v16 =	vadd.s32 v3, v19  }
0x14a: {  	v17 =	vld.idx.msk [tilespmem:v17+s11+$0x0], $0xffff;
	v16 =	vor.u32 v18, v16  }
0x14b: {  	v16 =	vor.u32 v2, v16;
	_ =	sdelay $0x3  }
0x14c: {  	[tilespmem:s29+$0xFFFFFF80] =	vst v17;
	v17 =	vadd.s32 v5, v19  }
0x14d: {  	v16 =	vld.idx.msk [tilespmem:v16+s11+$0x0], $0xffff;
	v17 =	vor.u32 v18, v17  }
0x14e: {  	v17 =	vor.u32 v4, v17;
	_ =	sdelay $0x3  }
0x14f: {  	[tilespmem:s29+$0xFFFFFF90] =	vst v16;
	v16 =	vadd.s32 v7, v19  }
0x150: {  	v17 =	vld.idx.msk [tilespmem:v17+s11+$0x0], $0xffff;
	v16 =	vor.u32 v18, v16  }
0x151: {  	v16 =	vor.u32 v6, v16;
	_ =	sdelay $0x3  }
0x152: {  	[tilespmem:s29+$0xFFFFFFA0] =	vst v17;
	v17 =	vadd.s32 v9, v19  }
0x153: {  	v16 =	vld.idx.msk [tilespmem:v16+s11+$0x0], $0xffff;
	v17 =	vor.u32 v18, v17  }
0x154: {  	v17 =	vor.u32 v8, v17;
	_ =	sdelay $0x3  }
0x155: {  	[tilespmem:s29+$0xFFFFFFB0] =	vst v16;
	v16 =	vadd.s32 v11, v19  }
0x156: {  	v17 =	vld.idx.msk [tilespmem:v17+s11+$0x0], $0xffff;
	v16 =	vor.u32 v18, v16  }
0x157: {  	v16 =	vor.u32 v10, v16;
	_ =	sdelay $0x3  }
0x158: {  	[tilespmem:s29+$0xFFFFFFC0] =	vst v17;
	v17 =	vadd.s32 v13, v19  }
0x159: {  	v16 =	vld.idx.msk [tilespmem:v16+s11+$0x0], $0xffff;
	v17 =	vor.u32 v18, v17  }
0x15a: {  	v17 =	vor.u32 v12, v17;
	_ =	sdelay $0x3  }
0x15b: {  	[tilespmem:s29+$0xFFFFFFD0] =	vst v16;
	v16 =	vadd.s32 v15, v19  }
0x15c: {  	v17 =	vld.idx.msk [tilespmem:v17+s11+$0x0], $0xffff;
	v16 =	vor.u32 v18, v16  }
0x15d: {  	s30 =	sadd.s32 $0x2, s24;
	v16 =	vor.u32 v14, v16  }
0x15e: {  	v18 =	vmov s30  }
0x15f: {  	v19 =	vshll.u32 v18, $0x9  }
0x160: {  	v18 =	vshll.u32 v18, $0x7;
	v19 =	vand.u32 $0x3000, v19  }
0x161: {  	v18 =	vand.u32 $0x300, v18;
	[tilespmem:s29+$0xFFFFFFE0] =	vst v17;
	v17 =	vadd.s32 v1, v19  }
0x162: {  	v16 =	vld.idx.msk [tilespmem:v16+s11+$0x0], $0xffff;
	v17 =	vor.u32 v18, v17  }
0x163: {  	v17 =	vor.u32 v0, v17;
	_ =	sdelay $0x3  }
0x164: {  	[tilespmem:s29+$0xFFFFFFF0] =	vst v16;
	v16 =	vadd.s32 v3, v19  }
0x165: {  	v17 =	vld.idx.msk [tilespmem:v17+s11+$0x0], $0xffff;
	v16 =	vor.u32 v18, v16  }
0x166: {  	v16 =	vor.u32 v2, v16;
	_ =	sdelay $0x3  }
0x167: {  	[tilespmem:s29+$0x0] =	vst v17;
	v17 =	vadd.s32 v5, v19  }
0x168: {  	v16 =	vld.idx.msk [tilespmem:v16+s11+$0x0], $0xffff;
	v17 =	vor.u32 v18, v17  }
0x169: {  	v17 =	vor.u32 v4, v17;
	_ =	sdelay $0x3  }
0x16a: {  	[tilespmem:s29+$0x10] =	vst v16;
	v16 =	vadd.s32 v7, v19  }
0x16b: {  	v17 =	vld.idx.msk [tilespmem:v17+s11+$0x0], $0xffff;
	v16 =	vor.u32 v18, v16  }
0x16c: {  	v16 =	vor.u32 v6, v16;
	_ =	sdelay $0x3  }
0x16d: {  	[tilespmem:s29+$0x20] =	vst v17;
	v17 =	vadd.s32 v9, v19  }
0x16e: {  	v16 =	vld.idx.msk [tilespmem:v16+s11+$0x0], $0xffff;
	v17 =	vor.u32 v18, v17  }
0x16f: {  	v17 =	vor.u32 v8, v17;
	_ =	sdelay $0x3  }
0x170: {  	[tilespmem:s29+$0x30] =	vst v16;
	v16 =	vadd.s32 v11, v19  }
0x171: {  	v17 =	vld.idx.msk [tilespmem:v17+s11+$0x0], $0xffff;
	v16 =	vor.u32 v18, v16  }
0x172: {  	v16 =	vor.u32 v10, v16;
	_ =	sdelay $0x3  }
0x173: {  	[tilespmem:s29+$0x40] =	vst v17;
	v17 =	vadd.s32 v13, v19  }
0x174: {  	v16 =	vld.idx.msk [tilespmem:v16+s11+$0x0], $0xffff;
	v17 =	vor.u32 v18, v17  }
0x175: {  	v17 =	vor.u32 v12, v17;
	_ =	sdelay $0x3  }
0x176: {  	[tilespmem:s29+$0x50] =	vst v16;
	v16 =	vadd.s32 v15, v19  }
0x177: {  	v17 =	vld.idx.msk [tilespmem:v17+s11+$0x0], $0xffff;
	v16 =	vor.u32 v18, v16  }
0x178: {  	s31 =	sadd.s32 $0x3, s24;
	v16 =	vor.u32 v14, v16  }
0x179: {  	v18 =	vmov s31  }
0x17a: {  	v19 =	vshll.u32 v18, $0x9  }
0x17b: {  	v18 =	vshll.u32 v18, $0x7;
	v19 =	vand.u32 $0x3000, v19  }
0x17c: {  	v18 =	vand.u32 $0x380, v18;
	[tilespmem:s29+$0x60] =	vst v17;
	v17 =	vadd.s32 v1, v19  }
0x17d: {  	v16 =	vld.idx.msk [tilespmem:v16+s11+$0x0], $0xffff;
	v17 =	vor.u32 v18, v17  }
0x17e: {  	v17 =	vor.u32 v0, v17;
	_ =	sdelay $0x3  }
0x17f: {  	[tilespmem:s29+$0x70] =	vst v16;
	v16 =	vadd.s32 v3, v19  }
0x180: {  	v17 =	vld.idx.msk [tilespmem:v17+s11+$0x0], $0xffff;
	v16 =	vor.u32 v18, v16  }
0x181: {  	v16 =	vor.u32 v2, v16;
	_ =	sdelay $0x3  }
0x182: {  	[tilespmem:s29+$0x80] =	vst v17;
	v17 =	vadd.s32 v5, v19  }
0x183: {  	v16 =	vld.idx.msk [tilespmem:v16+s11+$0x0], $0xffff;
	v17 =	vor.u32 v18, v17  }
0x184: {  	v17 =	vor.u32 v4, v17;
	_ =	sdelay $0x3  }
0x185: {  	[tilespmem:s29+$0x90] =	vst v16;
	v16 =	vadd.s32 v7, v19  }
0x186: {  	v17 =	vld.idx.msk [tilespmem:v17+s11+$0x0], $0xffff;
	v16 =	vor.u32 v18, v16  }
0x187: {  	v16 =	vor.u32 v6, v16;
	_ =	sdelay $0x3  }
0x188: {  	[tilespmem:s29+$0xA0] =	vst v17;
	v17 =	vadd.s32 v9, v19  }
0x189: {  	v16 =	vld.idx.msk [tilespmem:v16+s11+$0x0], $0xffff;
	v17 =	vor.u32 v18, v17  }
0x18a: {  	v17 =	vor.u32 v8, v17;
	_ =	sdelay $0x3  }
0x18b: {  	[tilespmem:s29+$0xB0] =	vst v16;
	v16 =	vadd.s32 v11, v19  }
0x18c: {  	v17 =	vld.idx.msk [tilespmem:v17+s11+$0x0], $0xffff;
	v16 =	vor.u32 v18, v16  }
0x18d: {  	v16 =	vor.u32 v10, v16;
	_ =	sdelay $0x3  }
0x18e: {  	[tilespmem:s29+$0xC0] =	vst v17;
	v17 =	vadd.s32 v13, v19  }
0x18f: {  	v16 =	vld.idx.msk [tilespmem:v16+s11+$0x0], $0xffff;
	v17 =	vor.u32 v18, v17  }
0x190: {  	v17 =	vor.u32 v12, v17;
	_ =	sdelay $0x3  }
0x191: {  	[tilespmem:s29+$0xD0] =	vst v16;
	v16 =	vadd.s32 v15, v19  }
0x192: {  	v17 =	vld.idx.msk [tilespmem:v17+s11+$0x0], $0xffff;
	v16 =	vor.u32 v18, v16  }
0x193: {  	v16 =	vor.u32 v14, v16;
	_ =	sdelay $0x3  }
0x194: {  	[tilespmem:s29+$0xE0] =	vst v17  }
0x195: {  	v16 =	vld.idx.msk [tilespmem:v16+s11+$0x0], $0xffff;
	_ =	sdelay $0x3  }
0x196: {  	s28 =	simm.s32 $0x0  }
0x197: {  	p0 =	seq.s32 s20, $0x2;
	s25 =	sshll.u32 s22, $0x4;
	[tilespmem:s29+$0xF0] =	vst v16;
	v16 =	vmov s28  }
0x198: {  	s22 =	sshll.u32 @!p0 s22, $0x6;
	s26 =	sadd.s32 s4, s25;
	v17 =	vshll.u32 v16, $0x9  }
0x199: {  	[hbm4b:s26+s3] =	stream.linear.scatter [tilespmem:s14], [sflag:$0x3], $0x1000, $0x38;
	v17 =	vand.u32 $0x3000, v17;
	[tilespmem:$0xA080] =	vst v63  }
0x19a: {  	s24 =	simm.s32 @!p0 $0x80;
	s23 =	simm.s32 @!p0 $0x0;
	s22 =	sadd.s32 @!p0 s22, s8;
	v16 =	vshll.u32 v16, $0x7;
	v17 =	vor.u32 $0x4000, v17  }
0x19b: {  	v16 =	vand.u32 $0x200, v16;
	[tilespmem:s24], [sflag:$0x1] =	stream.linear.gather @!p0 [hbm4b:s22+s23], $0x4000, $0x38;
	v18 =	vadd.s32 v1, v17;
	[tilespmem:$0xA080] =	vst v63  }
0x19c: {  	_ =	swait.ge [sflag:s15], $0x4000;
	v18 =	vor.u32 v16, v18  }
0x19d: {  	[sflag:s15] =	ssyncset.done $0x0;
	v18 =	vor.u32 v0, v18  }
0x19e: {  	s22 =	simm.s32 @!p1 $0x4;
	[sflag:s15] =	ssyncadd.s32 $0xFFFFC000  }
0x19f: {  	_ =	swait.ge @!p1 [sflag:s22], $0x1000  }
0x1a0: {  	[sflag:s22] =	ssyncset.done @!p1 $0x0  }
0x1a1: {  	v19 =	vadd.s32 v3, v17;
	[sflag:s22] =	ssyncadd.s32 @!p1 $0xFFFFF000  }
0x1a2: {  	v19 =	vor.u32 v16, v19;
	v18 =	vld.idx.msk [tilespmem:v18+s11+$0x0], $0xffff  }
0x1a3: {  	v19 =	vor.u32 v2, v19;
	_ =	sdelay $0x2  }
0x1a4: {  	s22 =	simm.s32 $0x9270  }
0x1a5: {  	[tilespmem:s22+$0xFFFFFE10] =	vst v18;
	v18 =	vadd.s32 v5, v17  }
0x1a6: {  	v19 =	vld.idx.msk [tilespmem:v19+s11+$0x0], $0xffff;
	v18 =	vor.u32 v16, v18  }
0x1a7: {  	v18 =	vor.u32 v4, v18;
	_ =	sdelay $0x3  }
0x1a8: {  	[tilespmem:s22+$0xFFFFFE20] =	vst v19;
	v19 =	vadd.s32 v7, v17  }
0x1a9: {  	v18 =	vld.idx.msk [tilespmem:v18+s11+$0x0], $0xffff;
	v19 =	vor.u32 v16, v19  }
0x1aa: {  	v19 =	vor.u32 v6, v19;
	_ =	sdelay $0x3  }
0x1ab: {  	[tilespmem:s22+$0xFFFFFE30] =	vst v18;
	v18 =	vadd.s32 v9, v17  }
0x1ac: {  	v19 =	vld.idx.msk [tilespmem:v19+s11+$0x0], $0xffff;
	v18 =	vor.u32 v16, v18  }
0x1ad: {  	v18 =	vor.u32 v8, v18;
	_ =	sdelay $0x3  }
0x1ae: {  	[tilespmem:s22+$0xFFFFFE40] =	vst v19;
	v19 =	vadd.s32 v11, v17  }
0x1af: {  	v18 =	vld.idx.msk [tilespmem:v18+s11+$0x0], $0xffff;
	v19 =	vor.u32 v16, v19  }
0x1b0: {  	v19 =	vor.u32 v10, v19;
	_ =	sdelay $0x3  }
0x1b1: {  	[tilespmem:s22+$0xFFFFFE50] =	vst v18;
	v18 =	vadd.s32 v13, v17  }
0x1b2: {  	v19 =	vld.idx.msk [tilespmem:v19+s11+$0x0], $0xffff;
	v18 =	vor.u32 v16, v18  }
0x1b3: {  	v18 =	vor.u32 v12, v18;
	_ =	sdelay $0x3  }
0x1b4: {  	v17 =	vadd.s32 v15, v17;
	[tilespmem:s22+$0xFFFFFE60] =	vst v19  }
0x1b5: {  	s29 =	simm.s32 $0x1;
	v16 =	vor.u32 v16, v17;
	v18 =	vld.idx.msk [tilespmem:v18+s11+$0x0], $0xffff  }
0x1b6: {  	v17 =	vmov s29;
	v16 =	vor.u32 v14, v16  }
0x1b7: {  	v19 =	vshll.u32 v17, $0x9  }
0x1b8: {  	v19 =	vand.u32 $0x3000, v19  }
0x1b9: {  	v17 =	vshll.u32 v17, $0x7;
	v19 =	vor.u32 $0x4000, v19  }
0x1ba: {  	v17 =	vand.u32 $0x280, v17;
	[tilespmem:s22+$0xFFFFFE70] =	vst v18;
	v18 =	vadd.s32 v1, v19  }
0x1bb: {  	v16 =	vld.idx.msk [tilespmem:v16+s11+$0x0], $0xffff;
	v18 =	vor.u32 v17, v18  }
0x1bc: {  	v18 =	vor.u32 v0, v18;
	_ =	sdelay $0x3  }
0x1bd: {  	[tilespmem:s22+$0xFFFFFE80] =	vst v16;
	v16 =	vadd.s32 v3, v19  }
0x1be: {  	v18 =	vld.idx.msk [tilespmem:v18+s11+$0x0], $0xffff;
	v16 =	vor.u32 v17, v16  }
0x1bf: {  	v16 =	vor.u32 v2, v16;
	_ =	sdelay $0x3  }
0x1c0: {  	[tilespmem:s22+$0xFFFFFE90] =	vst v18;
	v18 =	vadd.s32 v5, v19  }
0x1c1: {  	v16 =	vld.idx.msk [tilespmem:v16+s11+$0x0], $0xffff;
	v18 =	vor.u32 v17, v18  }
0x1c2: {  	v18 =	vor.u32 v4, v18;
	_ =	sdelay $0x3  }
0x1c3: {  	[tilespmem:s22+$0xFFFFFEA0] =	vst v16;
	v16 =	vadd.s32 v7, v19  }
0x1c4: {  	v18 =	vld.idx.msk [tilespmem:v18+s11+$0x0], $0xffff;
	v16 =	vor.u32 v17, v16  }
0x1c5: {  	v16 =	vor.u32 v6, v16;
	_ =	sdelay $0x3  }
0x1c6: {  	[tilespmem:s22+$0xFFFFFEB0] =	vst v18;
	v18 =	vadd.s32 v9, v19  }
0x1c7: {  	v16 =	vld.idx.msk [tilespmem:v16+s11+$0x0], $0xffff;
	v18 =	vor.u32 v17, v18  }
0x1c8: {  	v18 =	vor.u32 v8, v18;
	_ =	sdelay $0x3  }
0x1c9: {  	[tilespmem:s22+$0xFFFFFEC0] =	vst v16;
	v16 =	vadd.s32 v11, v19  }
0x1ca: {  	v18 =	vld.idx.msk [tilespmem:v18+s11+$0x0], $0xffff;
	v16 =	vor.u32 v17, v16  }
0x1cb: {  	v16 =	vor.u32 v10, v16;
	_ =	sdelay $0x3  }
0x1cc: {  	[tilespmem:s22+$0xFFFFFED0] =	vst v18;
	v18 =	vadd.s32 v13, v19  }
0x1cd: {  	v16 =	vld.idx.msk [tilespmem:v16+s11+$0x0], $0xffff;
	v18 =	vor.u32 v17, v18  }
0x1ce: {  	v18 =	vor.u32 v12, v18;
	_ =	sdelay $0x3  }
0x1cf: {  	[tilespmem:s22+$0xFFFFFEE0] =	vst v16;
	v16 =	vadd.s32 v15, v19  }
0x1d0: {  	s30 =	simm.s32 $0x2;
	v18 =	vld.idx.msk [tilespmem:v18+s11+$0x0], $0xffff;
	v16 =	vor.u32 v17, v16  }
0x1d1: {  	v17 =	vmov s30;
	v16 =	vor.u32 v14, v16  }
0x1d2: {  	v19 =	vshll.u32 v17, $0x9  }
0x1d3: {  	v19 =	vand.u32 $0x3000, v19  }
0x1d4: {  	v17 =	vshll.u32 v17, $0x7;
	v19 =	vor.u32 $0x4000, v19  }
0x1d5: {  	v17 =	vand.u32 $0x300, v17;
	[tilespmem:s22+$0xFFFFFEF0] =	vst v18;
	v18 =	vadd.s32 v1, v19  }
0x1d6: {  	v16 =	vld.idx.msk [tilespmem:v16+s11+$0x0], $0xffff;
	v18 =	vor.u32 v17, v18  }
0x1d7: {  	v18 =	vor.u32 v0, v18;
	_ =	sdelay $0x3  }
0x1d8: {  	[tilespmem:s22+$0xFFFFFF00] =	vst v16;
	v16 =	vadd.s32 v3, v19  }
0x1d9: {  	v18 =	vld.idx.msk [tilespmem:v18+s11+$0x0], $0xffff;
	v16 =	vor.u32 v17, v16  }
0x1da: {  	v16 =	vor.u32 v2, v16;
	_ =	sdelay $0x3  }
0x1db: {  	[tilespmem:s22+$0xFFFFFF10] =	vst v18;
	v18 =	vadd.s32 v5, v19  }
0x1dc: {  	v16 =	vld.idx.msk [tilespmem:v16+s11+$0x0], $0xffff;
	v18 =	vor.u32 v17, v18  }
0x1dd: {  	v18 =	vor.u32 v4, v18;
	_ =	sdelay $0x3  }
0x1de: {  	[tilespmem:s22+$0xFFFFFF20] =	vst v16;
	v16 =	vadd.s32 v7, v19  }
0x1df: {  	v18 =	vld.idx.msk [tilespmem:v18+s11+$0x0], $0xffff;
	v16 =	vor.u32 v17, v16  }
0x1e0: {  	v16 =	vor.u32 v6, v16;
	_ =	sdelay $0x3  }
0x1e1: {  	[tilespmem:s22+$0xFFFFFF30] =	vst v18;
	v18 =	vadd.s32 v9, v19  }
0x1e2: {  	v16 =	vld.idx.msk [tilespmem:v16+s11+$0x0], $0xffff;
	v18 =	vor.u32 v17, v18  }
0x1e3: {  	v18 =	vor.u32 v8, v18;
	_ =	sdelay $0x3  }
0x1e4: {  	[tilespmem:s22+$0xFFFFFF40] =	vst v16;
	v16 =	vadd.s32 v11, v19  }
0x1e5: {  	v18 =	vld.idx.msk [tilespmem:v18+s11+$0x0], $0xffff;
	v16 =	vor.u32 v17, v16  }
0x1e6: {  	v16 =	vor.u32 v10, v16;
	_ =	sdelay $0x3  }
0x1e7: {  	[tilespmem:s22+$0xFFFFFF50] =	vst v18;
	v18 =	vadd.s32 v13, v19  }
0x1e8: {  	v16 =	vld.idx.msk [tilespmem:v16+s11+$0x0], $0xffff;
	v18 =	vor.u32 v17, v18  }
0x1e9: {  	v18 =	vor.u32 v12, v18;
	_ =	sdelay $0x3  }
0x1ea: {  	[tilespmem:s22+$0xFFFFFF60] =	vst v16;
	v16 =	vadd.s32 v15, v19  }
0x1eb: {  	s31 =	simm.s32 $0x3;
	v18 =	vld.idx.msk [tilespmem:v18+s11+$0x0], $0xffff;
	v16 =	vor.u32 v17, v16  }
0x1ec: {  	v17 =	vmov s31;
	v16 =	vor.u32 v14, v16  }
0x1ed: {  	v19 =	vshll.u32 v17, $0x9  }
0x1ee: {  	v19 =	vand.u32 $0x3000, v19  }
0x1ef: {  	v17 =	vshll.u32 v17, $0x7;
	v19 =	vor.u32 $0x4000, v19  }
0x1f0: {  	v17 =	vand.u32 $0x380, v17;
	[tilespmem:s22+$0xFFFFFF70] =	vst v18;
	v18 =	vadd.s32 v1, v19  }
0x1f1: {  	v16 =	vld.idx.msk [tilespmem:v16+s11+$0x0], $0xffff;
	v18 =	vor.u32 v17, v18  }
0x1f2: {  	v18 =	vor.u32 v0, v18;
	_ =	sdelay $0x3  }
0x1f3: {  	[tilespmem:s22+$0xFFFFFF80] =	vst v16;
	v16 =	vadd.s32 v3, v19  }
0x1f4: {  	v18 =	vld.idx.msk [tilespmem:v18+s11+$0x0], $0xffff;
	v16 =	vor.u32 v17, v16  }
0x1f5: {  	v16 =	vor.u32 v2, v16;
	_ =	sdelay $0x3  }
0x1f6: {  	[tilespmem:s22+$0xFFFFFF90] =	vst v18;
	v18 =	vadd.s32 v5, v19  }
0x1f7: {  	v16 =	vld.idx.msk [tilespmem:v16+s11+$0x0], $0xffff;
	v18 =	vor.u32 v17, v18  }
0x1f8: {  	v18 =	vor.u32 v4, v18;
	_ =	sdelay $0x3  }
0x1f9: {  	[tilespmem:s22+$0xFFFFFFA0] =	vst v16;
	v16 =	vadd.s32 v7, v19  }
0x1fa: {  	v18 =	vld.idx.msk [tilespmem:v18+s11+$0x0], $0xffff;
	v16 =	vor.u32 v17, v16  }
0x1fb: {  	v16 =	vor.u32 v6, v16;
	_ =	sdelay $0x3  }
0x1fc: {  	[tilespmem:s22+$0xFFFFFFB0] =	vst v18;
	v18 =	vadd.s32 v9, v19  }
0x1fd: {  	v16 =	vld.idx.msk [tilespmem:v16+s11+$0x0], $0xffff;
	v18 =	vor.u32 v17, v18  }
0x1fe: {  	v18 =	vor.u32 v8, v18;
	_ =	sdelay $0x3  }
0x1ff: {  	[tilespmem:s22+$0xFFFFFFC0] =	vst v16;
	v16 =	vadd.s32 v11, v19  }
0x200: {  	v18 =	vld.idx.msk [tilespmem:v18+s11+$0x0], $0xffff;
	v16 =	vor.u32 v17, v16  }
0x201: {  	v16 =	vor.u32 v10, v16;
	_ =	sdelay $0x3  }
0x202: {  	[tilespmem:s22+$0xFFFFFFD0] =	vst v18;
	v18 =	vadd.s32 v13, v19  }
0x203: {  	v16 =	vld.idx.msk [tilespmem:v16+s11+$0x0], $0xffff;
	v18 =	vor.u32 v17, v18  }
0x204: {  	v18 =	vor.u32 v12, v18;
	_ =	sdelay $0x3  }
0x205: {  	v19 =	vadd.s32 v15, v19;
	[tilespmem:s22+$0xFFFFFFE0] =	vst v16  }
0x206: {  	v16 =	vor.u32 v17, v19;
	v17 =	vld.idx.msk [tilespmem:v18+s11+$0x0], $0xffff  }
0x207: {  	s21 =	sadd.s32 s21, s6;
	s23 =	simm.s32 $0x4;
	v16 =	vor.u32 v14, v16  }
0x208: {  	s21 =	sadd.s32 $0x20, s21;
	s24 =	simm.s32 $0x8;
	v18 =	vmov s23  }
.LBB2_5:
0x209: {  	p1 =	sne.s32 s24, $0x1C;
	v19 =	vshll.u32 v18, $0x9  }
0x20a: {  	v19 =	vand.u32 $0x3000, v19  }
0x20b: {  	v18 =	vshll.u32 v18, $0x7;
	v19 =	vor.u32 $0x4000, v19;
	[tilespmem:s22+$0xFFFFFFF0] =	vst v17  }
0x20c: {  	v18 =	vand.u32 $0x200, v18;
	v17 =	vadd.s32 v1, v19;
	v16 =	vld.idx.msk [tilespmem:v16+s11+$0x0], $0xffff  }
0x20d: {  	v17 =	vor.u32 v18, v17  }
0x20e: {  	v17 =	vor.u32 v0, v17;
	_ =	sdelay $0x3  }
0x20f: {  	[tilespmem:s22+$0x0] =	vst v16  }
0x210: {  	v16 =	vld.idx.msk [tilespmem:v17+s11+$0x0], $0xffff;
	v17 =	vadd.s32 v3, v19  }
0x211: {  	v17 =	vor.u32 v18, v17  }
0x212: {  	v17 =	vor.u32 v2, v17;
	_ =	sdelay $0x2  }
0x213: {  	s22 =	sadd.s32 $0x200, s22  }
0x214: {  	[tilespmem:s22+$0xFFFFFE10] =	vst v16  }
0x215: {  	v16 =	vld.idx.msk [tilespmem:v17+s11+$0x0], $0xffff;
	v17 =	vadd.s32 v5, v19  }
0x216: {  	v17 =	vor.u32 v18, v17  }
0x217: {  	v17 =	vor.u32 v4, v17;
	_ =	sdelay $0x3  }
0x218: {  	[tilespmem:s22+$0xFFFFFE20] =	vst v16  }
0x219: {  	v16 =	vld.idx.msk [tilespmem:v17+s11+$0x0], $0xffff;
	v17 =	vadd.s32 v7, v19  }
0x21a: {  	v17 =	vor.u32 v18, v17  }
0x21b: {  	v17 =	vor.u32 v6, v17;
	_ =	sdelay $0x3  }
0x21c: {  	[tilespmem:s22+$0xFFFFFE30] =	vst v16  }
0x21d: {  	v16 =	vld.idx.msk [tilespmem:v17+s11+$0x0], $0xffff;
	v17 =	vadd.s32 v9, v19  }
0x21e: {  	v17 =	vor.u32 v18, v17  }
0x21f: {  	v17 =	vor.u32 v8, v17;
	_ =	sdelay $0x3  }
0x220: {  	[tilespmem:s22+$0xFFFFFE40] =	vst v16  }
0x221: {  	v16 =	vld.idx.msk [tilespmem:v17+s11+$0x0], $0xffff;
	v17 =	vadd.s32 v11, v19  }
0x222: {  	v17 =	vor.u32 v18, v17  }
0x223: {  	v17 =	vor.u32 v10, v17;
	_ =	sdelay $0x3  }
0x224: {  	[tilespmem:s22+$0xFFFFFE50] =	vst v16  }
0x225: {  	v16 =	vld.idx.msk [tilespmem:v17+s11+$0x0], $0xffff;
	v17 =	vadd.s32 v13, v19  }
0x226: {  	v17 =	vor.u32 v18, v17  }
0x227: {  	v17 =	vor.u32 v12, v17;
	_ =	sdelay $0x3  }
0x228: {  	[tilespmem:s22+$0xFFFFFE60] =	vst v16  }
0x229: {  	v16 =	vld.idx.msk [tilespmem:v17+s11+$0x0], $0xffff;
	v17 =	vadd.s32 v15, v19  }
0x22a: {  	v17 =	vor.u32 v18, v17  }
0x22b: {  	s25 =	sadd.s32 $0x1, s23;
	v17 =	vor.u32 v14, v17  }
0x22c: {  	v18 =	vmov s25  }
0x22d: {  	v19 =	vshll.u32 v18, $0x9  }
0x22e: {  	v19 =	vand.u32 $0x3000, v19  }
0x22f: {  	v18 =	vshll.u32 v18, $0x7;
	[tilespmem:s22+$0xFFFFFE70] =	vst v16;
	v16 =	vor.u32 $0x4000, v19  }
0x230: {  	v18 =	vand.u32 $0x280, v18;
	v17 =	vld.idx.msk [tilespmem:v17+s11+$0x0], $0xffff;
	v19 =	vadd.s32 v1, v16  }
0x231: {  	v19 =	vor.u32 v18, v19  }
0x232: {  	v19 =	vor.u32 v0, v19;
	_ =	sdelay $0x3  }
0x233: {  	[tilespmem:s22+$0xFFFFFE80] =	vst v17  }
0x234: {  	v17 =	vld.idx.msk [tilespmem:v19+s11+$0x0], $0xffff;
	v19 =	vadd.s32 v3, v16  }
0x235: {  	v19 =	vor.u32 v18, v19  }
0x236: {  	v19 =	vor.u32 v2, v19;
	_ =	sdelay $0x3  }
0x237: {  	[tilespmem:s22+$0xFFFFFE90] =	vst v17  }
0x238: {  	v17 =	vld.idx.msk [tilespmem:v19+s11+$0x0], $0xffff;
	v19 =	vadd.s32 v5, v16  }
0x239: {  	v19 =	vor.u32 v18, v19  }
0x23a: {  	v19 =	vor.u32 v4, v19;
	_ =	sdelay $0x3  }
0x23b: {  	[tilespmem:s22+$0xFFFFFEA0] =	vst v17  }
0x23c: {  	v17 =	vld.idx.msk [tilespmem:v19+s11+$0x0], $0xffff;
	v19 =	vadd.s32 v7, v16  }
0x23d: {  	v19 =	vor.u32 v18, v19  }
0x23e: {  	v19 =	vor.u32 v6, v19;
	_ =	sdelay $0x3  }
0x23f: {  	[tilespmem:s22+$0xFFFFFEB0] =	vst v17  }
0x240: {  	v17 =	vld.idx.msk [tilespmem:v19+s11+$0x0], $0xffff;
	v19 =	vadd.s32 v9, v16  }
0x241: {  	v19 =	vor.u32 v18, v19  }
0x242: {  	v19 =	vor.u32 v8, v19;
	_ =	sdelay $0x3  }
0x243: {  	[tilespmem:s22+$0xFFFFFEC0] =	vst v17  }
0x244: {  	v17 =	vld.idx.msk [tilespmem:v19+s11+$0x0], $0xffff;
	v19 =	vadd.s32 v11, v16  }
0x245: {  	v19 =	vor.u32 v18, v19  }
0x246: {  	v19 =	vor.u32 v10, v19;
	_ =	sdelay $0x3  }
0x247: {  	[tilespmem:s22+$0xFFFFFED0] =	vst v17  }
0x248: {  	v17 =	vld.idx.msk [tilespmem:v19+s11+$0x0], $0xffff;
	v19 =	vadd.s32 v13, v16  }
0x249: {  	v19 =	vor.u32 v18, v19  }
0x24a: {  	v19 =	vor.u32 v12, v19;
	_ =	sdelay $0x3  }
0x24b: {  	[tilespmem:s22+$0xFFFFFEE0] =	vst v17  }
0x24c: {  	v16 =	vadd.s32 v15, v16;
	v17 =	vld.idx.msk [tilespmem:v19+s11+$0x0], $0xffff  }
0x24d: {  	v16 =	vor.u32 v18, v16  }
0x24e: {  	s25 =	sadd.s32 $0x2, s23;
	v16 =	vor.u32 v14, v16  }
0x24f: {  	v18 =	vmov s25  }
0x250: {  	v19 =	vshll.u32 v18, $0x9  }
0x251: {  	v19 =	vand.u32 $0x3000, v19  }
0x252: {  	v18 =	vshll.u32 v18, $0x7;
	[tilespmem:s22+$0xFFFFFEF0] =	vst v17;
	v17 =	vor.u32 $0x4000, v19  }
0x253: {  	v18 =	vand.u32 $0x300, v18;
	v16 =	vld.idx.msk [tilespmem:v16+s11+$0x0], $0xffff;
	v19 =	vadd.s32 v1, v17  }
0x254: {  	v19 =	vor.u32 v18, v19  }
0x255: {  	v19 =	vor.u32 v0, v19;
	_ =	sdelay $0x3  }
0x256: {  	[tilespmem:s22+$0xFFFFFF00] =	vst v16  }
0x257: {  	v16 =	vld.idx.msk [tilespmem:v19+s11+$0x0], $0xffff;
	v19 =	vadd.s32 v3, v17  }
0x258: {  	v19 =	vor.u32 v18, v19  }
0x259: {  	v19 =	vor.u32 v2, v19;
	_ =	sdelay $0x3  }
0x25a: {  	[tilespmem:s22+$0xFFFFFF10] =	vst v16  }
0x25b: {  	v16 =	vld.idx.msk [tilespmem:v19+s11+$0x0], $0xffff;
	v19 =	vadd.s32 v5, v17  }
0x25c: {  	v19 =	vor.u32 v18, v19  }
0x25d: {  	v19 =	vor.u32 v4, v19;
	_ =	sdelay $0x3  }
0x25e: {  	[tilespmem:s22+$0xFFFFFF20] =	vst v16  }
0x25f: {  	v16 =	vld.idx.msk [tilespmem:v19+s11+$0x0], $0xffff;
	v19 =	vadd.s32 v7, v17  }
0x260: {  	v19 =	vor.u32 v18, v19  }
0x261: {  	v19 =	vor.u32 v6, v19;
	_ =	sdelay $0x3  }
0x262: {  	[tilespmem:s22+$0xFFFFFF30] =	vst v16  }
0x263: {  	v16 =	vld.idx.msk [tilespmem:v19+s11+$0x0], $0xffff;
	v19 =	vadd.s32 v9, v17  }
0x264: {  	v19 =	vor.u32 v18, v19  }
0x265: {  	v19 =	vor.u32 v8, v19;
	_ =	sdelay $0x3  }
0x266: {  	[tilespmem:s22+$0xFFFFFF40] =	vst v16  }
0x267: {  	v16 =	vld.idx.msk [tilespmem:v19+s11+$0x0], $0xffff;
	v19 =	vadd.s32 v11, v17  }
0x268: {  	v19 =	vor.u32 v18, v19  }
0x269: {  	v19 =	vor.u32 v10, v19;
	_ =	sdelay $0x3  }
0x26a: {  	[tilespmem:s22+$0xFFFFFF50] =	vst v16  }
0x26b: {  	v16 =	vld.idx.msk [tilespmem:v19+s11+$0x0], $0xffff;
	v19 =	vadd.s32 v13, v17  }
0x26c: {  	v19 =	vor.u32 v18, v19  }
0x26d: {  	v19 =	vor.u32 v12, v19;
	_ =	sdelay $0x3  }
0x26e: {  	[tilespmem:s22+$0xFFFFFF60] =	vst v16  }
0x26f: {  	v17 =	vadd.s32 v15, v17;
	v16 =	vld.idx.msk [tilespmem:v19+s11+$0x0], $0xffff  }
0x270: {  	v17 =	vor.u32 v18, v17  }
0x271: {  	s25 =	sadd.s32 $0x3, s23;
	s23 =	smov.u32 s24;
	v17 =	vor.u32 v14, v17  }
0x272: {  	v18 =	vmov s25  }
0x273: {  	v19 =	vshll.u32 v18, $0x9  }
0x274: {  	v19 =	vand.u32 $0x3000, v19  }
0x275: {  	v18 =	vshll.u32 v18, $0x7;
	[tilespmem:s22+$0xFFFFFF70] =	vst v16;
	v16 =	vor.u32 $0x4000, v19  }
0x276: {  	v18 =	vand.u32 $0x380, v18;
	v17 =	vld.idx.msk [tilespmem:v17+s11+$0x0], $0xffff;
	v19 =	vadd.s32 v1, v16  }
0x277: {  	v19 =	vor.u32 v18, v19  }
0x278: {  	v19 =	vor.u32 v0, v19;
	_ =	sdelay $0x3  }
0x279: {  	[tilespmem:s22+$0xFFFFFF80] =	vst v17  }
0x27a: {  	v17 =	vld.idx.msk [tilespmem:v19+s11+$0x0], $0xffff;
	v19 =	vadd.s32 v3, v16  }
0x27b: {  	v19 =	vor.u32 v18, v19  }
0x27c: {  	v19 =	vor.u32 v2, v19;
	_ =	sdelay $0x3  }
0x27d: {  	[tilespmem:s22+$0xFFFFFF90] =	vst v17  }
0x27e: {  	v17 =	vld.idx.msk [tilespmem:v19+s11+$0x0], $0xffff;
	v19 =	vadd.s32 v5, v16  }
0x27f: {  	v19 =	vor.u32 v18, v19  }
0x280: {  	v19 =	vor.u32 v4, v19;
	_ =	sdelay $0x3  }
0x281: {  	[tilespmem:s22+$0xFFFFFFA0] =	vst v17  }
0x282: {  	v17 =	vld.idx.msk [tilespmem:v19+s11+$0x0], $0xffff;
	v19 =	vadd.s32 v7, v16  }
0x283: {  	v19 =	vor.u32 v18, v19  }
0x284: {  	v19 =	vor.u32 v6, v19;
	_ =	sdelay $0x3  }
0x285: {  	[tilespmem:s22+$0xFFFFFFB0] =	vst v17  }
0x286: {  	v17 =	vld.idx.msk [tilespmem:v19+s11+$0x0], $0xffff;
	v19 =	vadd.s32 v9, v16  }
0x287: {  	v19 =	vor.u32 v18, v19  }
0x288: {  	v19 =	vor.u32 v8, v19;
	_ =	sdelay $0x3  }
0x289: {  	[tilespmem:s22+$0xFFFFFFC0] =	vst v17  }
0x28a: {  	v17 =	vld.idx.msk [tilespmem:v19+s11+$0x0], $0xffff;
	v19 =	vadd.s32 v11, v16  }
0x28b: {  	v19 =	vor.u32 v18, v19  }
0x28c: {  	v19 =	vor.u32 v10, v19;
	_ =	sdelay $0x3  }
0x28d: {  	[tilespmem:s22+$0xFFFFFFD0] =	vst v17  }
0x28e: {  	v17 =	vld.idx.msk [tilespmem:v19+s11+$0x0], $0xffff;
	v19 =	vadd.s32 v13, v16  }
0x28f: {  	v19 =	vor.u32 v18, v19  }
0x290: {  	v19 =	vor.u32 v12, v19;
	_ =	sdelay $0x3  }
.Ltmp3:
0x291: {  	[tilespmem:s22+$0xFFFFFFE0] =	vst v17;
	(pc) =	sbr.rel @p1 .LBB2_5-.Ltmp3, $4  }
0x292: {  	v16 =	vadd.s32 v15, v16;
	v17 =	vld.idx.msk [tilespmem:v19+s11+$0x0], $0xffff  }
0x293: {  	v16 =	vor.u32 v18, v16  }
0x294: {  	v16 =	vor.u32 v14, v16  }
0x295: {  	s24 =	sadd.s32 $0x4, s24;
	v18 =	vmov s23  }
0x296: {  	v19 =	vshll.u32 v18, $0x9  }
0x297: {  	v19 =	vand.u32 $0x3000, v19  }
0x298: {  	v57 =	vshll.u32 v18, $0x7;
	v19 =	vor.u32 $0x4000, v19  }
0x299: {  	[tilespmem:s22+$0xFFFFFFF0] =	vst v17;
	v18 =	vand.u32 $0x200, v57;
	v17 =	vadd.s32 v1, v19  }
0x29a: {  	v16 =	vld.idx.msk [tilespmem:v16+s11+$0x0], $0xffff;
	v17 =	vor.u32 v18, v17  }
0x29b: {  	v17 =	vor.u32 v0, v17;
	_ =	sdelay $0x3  }
0x29c: {  	[tilespmem:s22+$0x0] =	vst v16;
	v16 =	vadd.s32 v3, v19  }
0x29d: {  	v16 =	vor.u32 v18, v16;
	v17 =	vld.idx.msk [tilespmem:v17+s11+$0x0], $0xffff  }
0x29e: {  	v16 =	vor.u32 v2, v16;
	_ =	sdelay $0x2  }
0x29f: {  	s26 =	sadd.s32 $0x200, s22  }
0x2a0: {  	[tilespmem:s26+$0xFFFFFE10] =	vst v17;
	v17 =	vadd.s32 v5, v19  }
0x2a1: {  	v16 =	vld.idx.msk [tilespmem:v16+s11+$0x0], $0xffff;
	v17 =	vor.u32 v18, v17  }
0x2a2: {  	v17 =	vor.u32 v4, v17;
	_ =	sdelay $0x3  }
0x2a3: {  	[tilespmem:s26+$0xFFFFFE20] =	vst v16;
	v16 =	vadd.s32 v7, v19  }
0x2a4: {  	v17 =	vld.idx.msk [tilespmem:v17+s11+$0x0], $0xffff;
	v16 =	vor.u32 v18, v16  }
0x2a5: {  	v16 =	vor.u32 v6, v16;
	_ =	sdelay $0x3  }
0x2a6: {  	[tilespmem:s26+$0xFFFFFE30] =	vst v17;
	v17 =	vadd.s32 v9, v19  }
0x2a7: {  	v16 =	vld.idx.msk [tilespmem:v16+s11+$0x0], $0xffff;
	v17 =	vor.u32 v18, v17  }
0x2a8: {  	v17 =	vor.u32 v8, v17;
	_ =	sdelay $0x3  }
0x2a9: {  	[tilespmem:s26+$0xFFFFFE40] =	vst v16;
	v16 =	vadd.s32 v11, v19  }
0x2aa: {  	v17 =	vld.idx.msk [tilespmem:v17+s11+$0x0], $0xffff;
	v16 =	vor.u32 v18, v16  }
0x2ab: {  	v16 =	vor.u32 v10, v16;
	_ =	sdelay $0x3  }
0x2ac: {  	[tilespmem:s26+$0xFFFFFE50] =	vst v17;
	v17 =	vadd.s32 v13, v19  }
0x2ad: {  	v16 =	vld.idx.msk [tilespmem:v16+s11+$0x0], $0xffff;
	v17 =	vor.u32 v18, v17  }
0x2ae: {  	v17 =	vor.u32 v12, v17;
	_ =	sdelay $0x3  }
0x2af: {  	[tilespmem:s26+$0xFFFFFE60] =	vst v16;
	v16 =	vadd.s32 v15, v19  }
0x2b0: {  	s24 =	sadd.s32 $0x1, s23;
	v17 =	vld.idx.msk [tilespmem:v17+s11+$0x0], $0xffff;
	v16 =	vor.u32 v18, v16  }
0x2b1: {  	v58 =	vmov s24;
	v16 =	vor.u32 v14, v16  }
0x2b2: {  	v59 =	vshll.u32 v58, $0x9  }
0x2b3: {  	v19 =	vand.u32 $0x3000, v59  }
0x2b4: {  	v19 =	vor.u32 $0x4000, v19;
	v18 =	vshll.u32 v58, $0x7  }
0x2b5: {  	v18 =	vand.u32 $0x280, v18;
	[tilespmem:s26+$0xFFFFFE70] =	vst v17;
	v17 =	vadd.s32 v1, v19  }
0x2b6: {  	v16 =	vld.idx.msk [tilespmem:v16+s11+$0x0], $0xffff;
	v17 =	vor.u32 v18, v17  }
0x2b7: {  	v17 =	vor.u32 v0, v17;
	_ =	sdelay $0x3  }
0x2b8: {  	[tilespmem:s26+$0xFFFFFE80] =	vst v16;
	v16 =	vadd.s32 v3, v19  }
0x2b9: {  	v17 =	vld.idx.msk [tilespmem:v17+s11+$0x0], $0xffff;
	v16 =	vor.u32 v18, v16  }
0x2ba: {  	v16 =	vor.u32 v2, v16;
	_ =	sdelay $0x3  }
0x2bb: {  	[tilespmem:s26+$0xFFFFFE90] =	vst v17;
	v17 =	vadd.s32 v5, v19  }
0x2bc: {  	v16 =	vld.idx.msk [tilespmem:v16+s11+$0x0], $0xffff;
	v17 =	vor.u32 v18, v17  }
0x2bd: {  	v17 =	vor.u32 v4, v17;
	_ =	sdelay $0x3  }
0x2be: {  	[tilespmem:s26+$0xFFFFFEA0] =	vst v16;
	v16 =	vadd.s32 v7, v19  }
0x2bf: {  	v17 =	vld.idx.msk [tilespmem:v17+s11+$0x0], $0xffff;
	v16 =	vor.u32 v18, v16  }
0x2c0: {  	v16 =	vor.u32 v6, v16;
	_ =	sdelay $0x3  }
0x2c1: {  	[tilespmem:s26+$0xFFFFFEB0] =	vst v17;
	v17 =	vadd.s32 v9, v19  }
0x2c2: {  	v16 =	vld.idx.msk [tilespmem:v16+s11+$0x0], $0xffff;
	v17 =	vor.u32 v18, v17  }
0x2c3: {  	v17 =	vor.u32 v8, v17;
	_ =	sdelay $0x3  }
0x2c4: {  	[tilespmem:s26+$0xFFFFFEC0] =	vst v16;
	v16 =	vadd.s32 v11, v19  }
0x2c5: {  	v17 =	vld.idx.msk [tilespmem:v17+s11+$0x0], $0xffff;
	v16 =	vor.u32 v18, v16  }
0x2c6: {  	v16 =	vor.u32 v10, v16;
	_ =	sdelay $0x3  }
0x2c7: {  	[tilespmem:s26+$0xFFFFFED0] =	vst v17;
	v17 =	vadd.s32 v13, v19  }
0x2c8: {  	v16 =	vld.idx.msk [tilespmem:v16+s11+$0x0], $0xffff;
	v17 =	vor.u32 v18, v17  }
0x2c9: {  	v17 =	vor.u32 v12, v17;
	_ =	sdelay $0x3  }
0x2ca: {  	[tilespmem:s26+$0xFFFFFEE0] =	vst v16;
	v16 =	vadd.s32 v15, v19  }
0x2cb: {  	s28 =	sadd.s32 $0x2, s23;
	v17 =	vld.idx.msk [tilespmem:v17+s11+$0x0], $0xffff;
	v16 =	vor.u32 v18, v16  }
0x2cc: {  	v60 =	vmov s28;
	v16 =	vor.u32 v14, v16  }
0x2cd: {  	v61 =	vshll.u32 v60, $0x9  }
0x2ce: {  	v19 =	vand.u32 $0x3000, v61  }
0x2cf: {  	v19 =	vor.u32 $0x4000, v19;
	v18 =	vshll.u32 v60, $0x7  }
0x2d0: {  	v18 =	vand.u32 $0x300, v18;
	[tilespmem:s26+$0xFFFFFEF0] =	vst v17;
	v17 =	vadd.s32 v1, v19  }
0x2d1: {  	v16 =	vld.idx.msk [tilespmem:v16+s11+$0x0], $0xffff;
	v17 =	vor.u32 v18, v17  }
0x2d2: {  	v17 =	vor.u32 v0, v17;
	_ =	sdelay $0x3  }
0x2d3: {  	[tilespmem:s26+$0xFFFFFF00] =	vst v16;
	v16 =	vadd.s32 v3, v19  }
0x2d4: {  	v17 =	vld.idx.msk [tilespmem:v17+s11+$0x0], $0xffff;
	v16 =	vor.u32 v18, v16  }
0x2d5: {  	v16 =	vor.u32 v2, v16;
	_ =	sdelay $0x3  }
0x2d6: {  	[tilespmem:s26+$0xFFFFFF10] =	vst v17;
	v17 =	vadd.s32 v5, v19  }
0x2d7: {  	v16 =	vld.idx.msk [tilespmem:v16+s11+$0x0], $0xffff;
	v17 =	vor.u32 v18, v17  }
0x2d8: {  	v17 =	vor.u32 v4, v17;
	_ =	sdelay $0x3  }
0x2d9: {  	[tilespmem:s26+$0xFFFFFF20] =	vst v16;
	v16 =	vadd.s32 v7, v19  }
0x2da: {  	v17 =	vld.idx.msk [tilespmem:v17+s11+$0x0], $0xffff;
	v16 =	vor.u32 v18, v16  }
0x2db: {  	v16 =	vor.u32 v6, v16;
	_ =	sdelay $0x3  }
0x2dc: {  	[tilespmem:s26+$0xFFFFFF30] =	vst v17;
	v17 =	vadd.s32 v9, v19  }
0x2dd: {  	v16 =	vld.idx.msk [tilespmem:v16+s11+$0x0], $0xffff;
	v17 =	vor.u32 v18, v17  }
0x2de: {  	v17 =	vor.u32 v8, v17;
	_ =	sdelay $0x3  }
0x2df: {  	[tilespmem:s26+$0xFFFFFF40] =	vst v16;
	v16 =	vadd.s32 v11, v19  }
0x2e0: {  	v17 =	vld.idx.msk [tilespmem:v17+s11+$0x0], $0xffff;
	v16 =	vor.u32 v18, v16  }
0x2e1: {  	v16 =	vor.u32 v10, v16;
	_ =	sdelay $0x3  }
0x2e2: {  	[tilespmem:s26+$0xFFFFFF50] =	vst v17;
	v17 =	vadd.s32 v13, v19  }
0x2e3: {  	v16 =	vld.idx.msk [tilespmem:v16+s11+$0x0], $0xffff;
	v17 =	vor.u32 v18, v17  }
0x2e4: {  	v17 =	vor.u32 v12, v17;
	_ =	sdelay $0x3  }
0x2e5: {  	[tilespmem:s26+$0xFFFFFF60] =	vst v16;
	v16 =	vadd.s32 v15, v19  }
0x2e6: {  	s29 =	sadd.s32 $0x3, s23;
	v17 =	vld.idx.msk [tilespmem:v17+s11+$0x0], $0xffff;
	v16 =	vor.u32 v18, v16  }
0x2e7: {  	v62 =	vmov s29;
	v16 =	vor.u32 v14, v16  }
0x2e8: {  	v63 =	vshll.u32 v62, $0x9  }
0x2e9: {  	v19 =	vand.u32 $0x3000, v63  }
0x2ea: {  	v19 =	vor.u32 $0x4000, v19;
	v18 =	vshll.u32 v62, $0x7  }
0x2eb: {  	v18 =	vand.u32 $0x380, v18;
	[tilespmem:s26+$0xFFFFFF70] =	vst v17;
	v17 =	vadd.s32 v1, v19  }
0x2ec: {  	v16 =	vld.idx.msk [tilespmem:v16+s11+$0x0], $0xffff;
	v17 =	vor.u32 v18, v17  }
0x2ed: {  	v17 =	vor.u32 v0, v17;
	_ =	sdelay $0x3  }
0x2ee: {  	[tilespmem:s26+$0xFFFFFF80] =	vst v16;
	v16 =	vadd.s32 v3, v19  }
0x2ef: {  	v17 =	vld.idx.msk [tilespmem:v17+s11+$0x0], $0xffff;
	v16 =	vor.u32 v18, v16  }
0x2f0: {  	v16 =	vor.u32 v2, v16;
	_ =	sdelay $0x3  }
0x2f1: {  	[tilespmem:s26+$0xFFFFFF90] =	vst v17;
	v17 =	vadd.s32 v5, v19  }
0x2f2: {  	v16 =	vld.idx.msk [tilespmem:v16+s11+$0x0], $0xffff;
	v17 =	vor.u32 v18, v17  }
0x2f3: {  	v17 =	vor.u32 v4, v17;
	_ =	sdelay $0x3  }
0x2f4: {  	[tilespmem:s26+$0xFFFFFFA0] =	vst v16;
	v16 =	vadd.s32 v7, v19  }
0x2f5: {  	v17 =	vld.idx.msk [tilespmem:v17+s11+$0x0], $0xffff;
	v16 =	vor.u32 v18, v16  }
0x2f6: {  	v16 =	vor.u32 v6, v16;
	_ =	sdelay $0x3  }
0x2f7: {  	[tilespmem:s26+$0xFFFFFFB0] =	vst v17;
	v17 =	vadd.s32 v9, v19  }
0x2f8: {  	v16 =	vld.idx.msk [tilespmem:v16+s11+$0x0], $0xffff;
	v17 =	vor.u32 v18, v17  }
0x2f9: {  	v17 =	vor.u32 v8, v17;
	_ =	sdelay $0x3  }
0x2fa: {  	[tilespmem:s26+$0xFFFFFFC0] =	vst v16;
	v16 =	vadd.s32 v11, v19  }
0x2fb: {  	v17 =	vld.idx.msk [tilespmem:v17+s11+$0x0], $0xffff;
	v16 =	vor.u32 v18, v16  }
0x2fc: {  	v16 =	vor.u32 v10, v16;
	_ =	sdelay $0x3  }
0x2fd: {  	[tilespmem:s26+$0xFFFFFFD0] =	vst v17;
	v17 =	vadd.s32 v13, v19  }
0x2fe: {  	v16 =	vld.idx.msk [tilespmem:v16+s11+$0x0], $0xffff;
	v17 =	vor.u32 v18, v17  }
0x2ff: {  	v17 =	vor.u32 v12, v17;
	_ =	sdelay $0x3  }
0x300: {  	[tilespmem:s26+$0xFFFFFFE0] =	vst v16;
	v16 =	vadd.s32 v15, v19  }
0x301: {  	v17 =	vld.idx.msk [tilespmem:v17+s11+$0x0], $0xffff;
	v16 =	vor.u32 v18, v16  }
0x302: {  	v16 =	vor.u32 v14, v16;
	_ =	sdelay $0x3  }
0x303: {  	[tilespmem:s26+$0xFFFFFFF0] =	vst v17  }
0x304: {  	v16 =	vld.idx.msk [tilespmem:v16+s11+$0x0], $0xffff;
	_ =	sdelay $0x1  }
.Ltmp4:
0x305: {  	_ = 	snop;
	(pc) =	sbr.rel @p0 .LBB2_8-.Ltmp4, $4  }
0x306: {  	_ = 	snop  }
0x307: {  	s30 =	sshll.u32 s21, $0x4  }
0x308: {  	s31 =	sadd.s32 s4, s30;
	[tilespmem:s26+$0x0] =	vst v16  }
0x309: {  	[hbm4b:s31+s3] =	stream.linear.scatter [tilespmem:s16], [sflag:$0x4], $0x1000, $0x38;
	[tilespmem:$0xA080] =	vst v63  }
.Ltmp5:
0x30a: {  	(pc) =	sbr.rel .LBB2_2-.Ltmp5, $4  }
0x30b: {  	_ = 	snop  }
0x30c: {  	s21 =	sshll.u32 s21, $0x6  }
0x30d: {  	s20 =	sadd.s32 $0x1, s20;
	s21 =	sadd.s32 s21, s8  }
0x30e: {  	[tilespmem:s12], [sflag:$0x2] =	stream.linear.gather [hbm4b:s21+s3], $0x4000, $0x38;
	[tilespmem:$0xA080] =	vst v63  }
.LBB2_9:
0x30f: {  	_ =	sfence.sel $0x180000  }
0x310: {  	[bflag:$0x0] =	sbarrier.arrive $0xFFFF  }
0x311: {  	p0 =	sne.s32 s0, $0x0;
	_ =	strace $0x90000047  }
0x312: {  	s0 =	sadd.s32 @!p0 $0x100000, s1;
	[bflag:$0x2] =	sbarrier.arrive $0xFFFF  }
0x313: {  	[sflag:s0] =	ssyncadd.tile.s32 @!p0 $0x1;
	_ =	shalt  }
.Lfunc_end2:
_tile_overlayer_lowered:
.L_overlay_start_2:
0x314: {  	(tag) =	ssettag $0x2  }
0x315: {  	s0 =	rddreg [dreg:$0x0];
	s2 =	stileid.u32  }
0x316: {  	s1 =	rddreg [dreg:$0x1];
	p0 =	sne.s32 s2, $0x0  }
0x317: {  	s3 =	rddreg [dreg:$0x2];
	[bflag:$0x3] =	sbarrier.arrive $0xFFFF;
	s2 =	simm.s32 @!p0 $0x1C05  }
0x318: {  	[timem:s3], [sflag:s2] =	dma.local @!p0 [hbm:s0], s1  }
0x319: {  	s0 =	simm.s32 @!p0 $0x5  }
0x31a: {  	_ =	swait.ge @!p0 [sflag:s0], s1  }
0x31b: {  	s1 =	ssub.s32 @!p0 $0x0, s1;
	[sflag:s0] =	ssyncset.done @!p0 $0x0  }
0x31c: {  	[sflag:s0] =	ssyncadd.s32 @!p0 s1  }
0x31d: {  	[bflag:$0x3] =	sbarrier.arrive $0xFFFF  }
0x31e: {  	_ =	shalt  }

</sc_bundles>
